<compile_context>
chip_gen: v7x
topology: tpu7x:2x2x1
jax: 0.10.2.dev20260603
libtpu: 0.0.44.dev20260713+nightly
codegen_flags: <defaults>
</compile_context>

<pallas_src>
import functools

import jax
import jax.numpy as jnp
from jax import lax
from jax.experimental import pallas as pl
from jax.experimental.pallas import tpu as pltpu
from jax.experimental.pallas import tpu_sc as plsc

_R = 32
_S = 2
_N = 1024
_D = 128
_NTAB = 270
_NC = 2
_NS = 16
_NW = _NC * _NS
_BTOT = _N * _N
_RW = _BTOT // _NW
_CH = 64
_NCHUNK = _RW // _CH


def _table_kernel(w_ref, t_ref):
    w2_65 = w_ref[131:132, :]
    ca = (w_ref[65:66, :] + w2_65) + w_ref[133:138, :]
    cb = (w_ref[0:65, :] + w2_65) + w_ref[138:139, :]
    cc = (w_ref[32:33, :] + w_ref[66:131, :]) + w_ref[138:139, :]
    t0 = jnp.concatenate([ca, cb, cc], axis=0)
    t_ref[...] = jnp.concatenate([t0, t0 + w_ref[132:133, :]], axis=0)


def _index_kernel(fc_ref, fr_ref, idx_ref):
    fc = fc_ref[...]
    fr = fr_ref[...]
    ri, ti, ai, ei, si = (fc[:, k:k + 1] for k in range(5))
    rj, tj, aj, ej, sj = (fr[k:k + 1, :] for k in range(5))
    dres = jnp.clip((ri - rj) + float(_R), 0.0, float(2 * _R))
    dtok = jnp.clip((ti - tj) + float(_R), 0.0, float(2 * _R))
    dchain = jnp.clip((si - sj) + float(_S), 0.0, float(2 * _S))
    same_chain = ai == aj
    same_res = ri == rj
    c = jnp.where(same_chain,
                  jnp.where(same_res, 70.0 + dtok, 5.0 + dres),
                  dchain)
    c = c + jnp.where(ei == ej, 135.0, 0.0)
    idx_ref[...] = c.astype(jnp.int32)


_G = _CH // 16


def _sc_gather_body(t_hbm, idx_hbm, out_hbm, t_loc, idx_loc, rows0, rows1,
                    sem0, sem1):
    cid = lax.axis_index("c")
    sid = lax.axis_index("s")
    wid = sid * _NC + cid
    base = wid * _RW
    pltpu.sync_copy(t_hbm, t_loc)
    pltpu.sync_copy(idx_hbm.at[pl.ds(base, _RW)], idx_loc)

    iota = lax.iota(jnp.int32, 16)
    rb = [g * (16 * _D) + iota * _D for g in range(_G)]

    def compute(chunk, buf):
        r0 = chunk * _CH
        cb = [idx_loc[pl.ds(r0 + g * 16, 16)] * _D for g in range(_G)]

        @plsc.parallel_loop(0, _D, unroll=16)
        def lbody(l):
            colv = (iota * 9 + l) & (_D - 1)
            for g in range(_G):
                vals = plsc.load_gather(t_loc, [cb[g] + colv])
                plsc.store_scatter(buf, [rb[g] + colv], vals)

    def body(k, carry):
        c0 = 2 * k
        compute(c0, rows0)
        h0 = pltpu.async_copy(
            rows0, out_hbm.at[pl.ds((base + c0 * _CH) * _D, _CH * _D)], sem0)

        @pl.when(k > 0)
        def _():
            pltpu.make_async_copy(
                rows1, out_hbm.at[pl.ds(base * _D, _CH * _D)], sem1).wait()

        compute(c0 + 1, rows1)
        h0.wait()
        pltpu.async_copy(
            rows1, out_hbm.at[pl.ds((base + (c0 + 1) * _CH) * _D, _CH * _D)],
            sem1)
        return carry

    lax.fori_loop(0, _NCHUNK // 2, body, 0)
    pltpu.make_async_copy(
        rows1, out_hbm.at[pl.ds(base * _D, _CH * _D)], sem1).wait()


@functools.cache
def _sc_gather():
    return pl.kernel(
        _sc_gather_body,
        out_type=jax.ShapeDtypeStruct((_BTOT * _D,), jnp.float32),
        mesh=plsc.VectorSubcoreMesh(core_axis_name="c", subcore_axis_name="s"),
        compiler_params=pltpu.CompilerParams(
            use_tc_tiling_on_sc=False, needs_layout_passes=False,
            disable_bounds_checks=True),
        scratch_types=[
            pltpu.VMEM((_NTAB * _D,), jnp.float32),
            pltpu.VMEM((_RW,), jnp.int32),
            pltpu.VMEM((_CH * _D,), jnp.float32),
            pltpu.VMEM((_CH * _D,), jnp.float32),
            pltpu.SemaphoreType.DMA,
            pltpu.SemaphoreType.DMA,
        ],
    )


@jax.jit
def kernel(additional_residue_feats, W):
    f = additional_residue_feats[0, :, :5]
    fc = f
    fr = f.T

    table = pl.pallas_call(
        _table_kernel,
        out_shape=jax.ShapeDtypeStruct((_NTAB, _D), jnp.float32),
    )(W)

    blk = 128
    idx = pl.pallas_call(
        _index_kernel,
        grid=(_N // blk,),
        in_specs=[
            pl.BlockSpec((blk, 5), lambda i: (i, 0)),
            pl.BlockSpec((5, _N), lambda i: (0, 0)),
        ],
        out_specs=pl.BlockSpec((blk, _N), lambda i: (i, 0)),
        out_shape=jax.ShapeDtypeStruct((_N, _N), jnp.int32),
    )(fc, fr)

    out = _sc_gather()(table.reshape(_NTAB * _D), idx.reshape(_BTOT))
    return out.reshape(1, _N, _N, _D)

# --- scband reference (transcript-rebuilt; emitter-appended) ---
"""Pipeline reference for scband-relative-position-encoding-34024730919326 (READ-ONLY COPY).

The authoritative reference and input builder live on the scoring server;
editing this copy changes nothing except your own understanding.
"""

import jax, jax.numpy as jnp
import numpy as np

R_MAX = 32
S_MAX = 2
DIM_OUT = 128
DIM_IN = (2 * R_MAX + 2) + (2 * R_MAX + 2) + 1 + (2 * S_MAX + 2)  # 139
B = 1
N = 1024


def setup_inputs(seed: int = 0) -> dict:
    key = jax.random.key(seed)
    k1, k2 = jax.random.split(key)
    # residue-level integer features stored as floats: res_idx, token_idx, asym_id, entity_id, sym_id, + 5 extra
    additional_residue_feats = jax.random.randint(k1, (B, N, 10), 0, 64).astype(jnp.float32)
    # LinearNoBias weight, stored as [dim_in, dim_out] for jnp matmul
    W = jax.random.normal(k2, (DIM_IN, DIM_OUT), dtype=jnp.float32) * 0.02
    return {"additional_residue_feats": additional_residue_feats, "W": W}


def _onehot_nearest(x, bins):
    # torch version: argmin(|x - bins|) then scatter 1 -> one_hot of nearest bin index
    idx = jnp.argmin(jnp.abs(x[..., None] - bins), axis=-1)
    return jax.nn.one_hot(idx, bins.shape[0], dtype=jnp.float32)


def reference(additional_residue_feats, W):
    feats = additional_residue_feats
    res_idx = feats[..., 0]
    token_idx = feats[..., 1]
    asym_id = feats[..., 2]
    entity_id = feats[..., 3]
    sym_id = feats[..., 4]

    diff_res_idx = res_idx[:, :, None] - res_idx[:, None, :]
    diff_token_idx = token_idx[:, :, None] - token_idx[:, None, :]
    diff_sym_id = sym_id[:, :, None] - sym_id[:, None, :]

    mask_same_chain = (asym_id[:, :, None] - asym_id[:, None, :]) == 0
    mask_same_res = diff_res_idx == 0
    mask_same_entity = ((entity_id[:, :, None] - entity_id[:, None, :]) == 0)[..., None].astype(jnp.float32)

    d_res = jnp.where(mask_same_chain, jnp.clip(diff_res_idx + R_MAX, 0, 2 * R_MAX), 2 * R_MAX + 1)
    d_token = jnp.where(mask_same_chain & mask_same_res, jnp.clip(diff_token_idx + R_MAX, 0, 2 * R_MAX), 2 * R_MAX + 1)
    d_chain = jnp.where(~mask_same_chain, jnp.clip(diff_sym_id + S_MAX, 0, 2 * S_MAX), 2 * S_MAX + 1)

    r_bins = jnp.arange(2 * R_MAX + 2, dtype=jnp.float32)
    s_bins = jnp.arange(2 * S_MAX + 2, dtype=jnp.float32)

    a_rel_pos = _onehot_nearest(d_res, r_bins)
    a_rel_token = _onehot_nearest(d_token, r_bins)
    a_rel_chain = _onehot_nearest(d_chain, s_bins)

    out = jnp.concatenate([a_rel_pos, a_rel_token, mask_same_entity, a_rel_chain], axis=-1)
    return out @ W

if __name__ == "__main__":
    import jax
    _d = setup_inputs()
    print(jax.jit(kernel)(*tuple(_d.values())))

</pallas_src>

<mosaic_0001>
#map = affine_map<(d0, d1) -> (0)>
module attributes {stable_mosaic.version = 14 : i64} {
  func.func @_sc_gather_body(%arg0: i32, %arg1: i32, %arg2: memref<34560xf32, #tpu.memory_space<hbm>>, %arg3: memref<1048576xi32, #tpu.memory_space<hbm>>, %arg4: memref<134217728xf32, #tpu.memory_space<hbm>>, %arg5: memref<34560xf32, #tpu.memory_space<vmem>>, %arg6: memref<32768xi32, #tpu.memory_space<vmem>>, %arg7: memref<8192xf32, #tpu.memory_space<vmem>>, %arg8: memref<8192xf32, #tpu.memory_space<vmem>>, %arg9: memref<!tpu.dma_semaphore, #tpu.memory_space<semaphore_mem>>, %arg10: memref<!tpu.dma_semaphore, #tpu.memory_space<semaphore_mem>>) attributes {dimension_semantics = [#tpu.dimension_semantics<core_parallel>, #tpu.dimension_semantics<subcore_parallel>], iteration_bounds = array<i64: 2, 16>, scalar_prefetch = 0 : i64, scratch_operands = 6 : i64, tpu.core_type = #tpu.core_type<sc_vector_subcore>, window_params = [{transform_indices = #map}, {transform_indices = #map}, {transform_indices = #map}]} {
    %mul3A = arith.constant 2 : i32
    %mul3A_0 = arith.muli %arg1, %mul3A : i32
    %add3A = arith.addi %mul3A_0, %arg0 : i32
    %mul3A_1 = arith.constant 32768 : i32
    %mul3A_2 = arith.muli %add3A, %mul3A_1 : i32
    "tpu.region"() ({
      %run_scoped3A = tpu.sem_alloc : memref<!tpu.dma_semaphore, #tpu.memory_space<semaphore_mem>>
      tpu.enqueue_dma source(%arg2 : memref<34560xf32, #tpu.memory_space<hbm>>) target(%arg5 : memref<34560xf32, #tpu.memory_space<vmem>>) target_semaphore(%run_scoped3A : memref<!tpu.dma_semaphore, #tpu.memory_space<semaphore_mem>>)
      tpu.wait_dma2 semaphore(%run_scoped3A : memref<!tpu.dma_semaphore, #tpu.memory_space<semaphore_mem>>) src(%arg2 : memref<34560xf32, #tpu.memory_space<hbm>>) dst(%arg5 : memref<34560xf32, #tpu.memory_space<vmem>>)
      tpu.yield
    }) : () -> ()
    "tpu.region"() ({
      %run_scoped3A = tpu.sem_alloc : memref<!tpu.dma_semaphore, #tpu.memory_space<semaphore_mem>>
      %dma_start3A = tpu.memref_slice %arg3[%mul3A_2] : memref<1048576xi32, #tpu.memory_space<hbm>> -> memref<32768xi32, #tpu.memory_space<hbm>>
      %dma_start3A_35 = tpu.memref_slice %arg3[%mul3A_2] : memref<1048576xi32, #tpu.memory_space<hbm>> -> memref<32768xi32, #tpu.memory_space<hbm>>
      tpu.enqueue_dma source(%dma_start3A_35 : memref<32768xi32, #tpu.memory_space<hbm>>) target(%arg6 : memref<32768xi32, #tpu.memory_space<vmem>>) target_semaphore(%run_scoped3A : memref<!tpu.dma_semaphore, #tpu.memory_space<semaphore_mem>>)
      %dma_wait3A_36 = tpu.memref_slice %arg3[%mul3A_2] : memref<1048576xi32, #tpu.memory_space<hbm>> -> memref<32768xi32, #tpu.memory_space<hbm>>
      %dma_wait3A_37 = tpu.memref_slice %arg3[%mul3A_2] : memref<1048576xi32, #tpu.memory_space<hbm>> -> memref<32768xi32, #tpu.memory_space<hbm>>
      tpu.wait_dma2 semaphore(%run_scoped3A : memref<!tpu.dma_semaphore, #tpu.memory_space<semaphore_mem>>) src(%dma_wait3A_37 : memref<32768xi32, #tpu.memory_space<hbm>>) dst(%arg6 : memref<32768xi32, #tpu.memory_space<vmem>>)
      tpu.yield
    }) : () -> ()
    %iota3A = tpu.iota {dimensions = array<i32: 0>} : vector<16xi32>
    %mul3A_3 = arith.constant 128 : i32
    %mul3A_4 = vector.broadcast %mul3A_3 : i32 to vector<16xi32>
    %mul3A_5 = arith.muli %iota3A, %mul3A_4 : vector<16xi32>
    %add3A_6 = arith.constant 0 : i32
    %add3A_7 = vector.broadcast %add3A_6 : i32 to vector<16xi32>
    %add3A_8 = arith.addi %add3A_7, %mul3A_5 : vector<16xi32>
    %mul3A_9 = arith.constant 128 : i32
    %mul3A_10 = vector.broadcast %mul3A_9 : i32 to vector<16xi32>
    %mul3A_11 = arith.muli %iota3A, %mul3A_10 : vector<16xi32>
    %add3A_12 = arith.constant 2048 : i32
    %add3A_13 = vector.broadcast %add3A_12 : i32 to vector<16xi32>
    %add3A_14 = arith.addi %add3A_13, %mul3A_11 : vector<16xi32>
    %mul3A_15 = arith.constant 128 : i32
    %mul3A_16 = vector.broadcast %mul3A_15 : i32 to vector<16xi32>
    %mul3A_17 = arith.muli %iota3A, %mul3A_16 : vector<16xi32>
    %add3A_18 = arith.constant 4096 : i32
    %add3A_19 = vector.broadcast %add3A_18 : i32 to vector<16xi32>
    %add3A_20 = arith.addi %add3A_19, %mul3A_17 : vector<16xi32>
    %mul3A_21 = arith.constant 128 : i32
    %mul3A_22 = vector.broadcast %mul3A_21 : i32 to vector<16xi32>
    %mul3A_23 = arith.muli %iota3A, %mul3A_22 : vector<16xi32>
    %add3A_24 = arith.constant 6144 : i32
    %add3A_25 = vector.broadcast %add3A_24 : i32 to vector<16xi32>
    %add3A_26 = arith.addi %add3A_25, %mul3A_23 : vector<16xi32>
    %scan3A = arith.constant 0 : i32
    %scan3A_27 = arith.constant 0 : i32
    %scan3A_28 = arith.constant 256 : i32
    %scan3A_29 = arith.addi %scan3A_27, %scan3A_28 : i32
    %scan3A_30 = arith.constant 1 : i32
    scf.for %scan3A_35 = %scan3A_27 to %scan3A_29 step %scan3A_30  : i32 {
      %mul3A_36 = arith.constant 2 : i32
      %mul3A_37 = arith.muli %mul3A_36, %scan3A_35 : i32
      %mul3A_38 = arith.constant 64 : i32
      %mul3A_39 = arith.muli %mul3A_37, %mul3A_38 : i32
      %add3A_40 = arith.constant 0 : i32
      %add3A_41 = arith.addi %mul3A_39, %add3A_40 : i32
      %get3A = arith.index_cast %add3A_41 : i32 to index
      %get3A_42 = tpu.vector_load %arg6[%get3A] {strides = array<i32>} : memref<32768xi32, #tpu.memory_space<vmem>>, vector<16xi32>,
      %mul3A_43 = arith.constant 128 : i32
      %mul3A_44 = vector.broadcast %mul3A_43 : i32 to vector<16xi32>
      %mul3A_45 = arith.muli %get3A_42, %mul3A_44 : vector<16xi32>
      %add3A_46 = arith.constant 16 : i32
      %add3A_47 = arith.addi %mul3A_39, %add3A_46 : i32
      %get3A_48 = arith.index_cast %add3A_47 : i32 to index
      %get3A_49 = tpu.vector_load %arg6[%get3A_48] {strides = array<i32>} : memref<32768xi32, #tpu.memory_space<vmem>>, vector<16xi32>,
      %mul3A_50 = arith.constant 128 : i32
      %mul3A_51 = vector.broadcast %mul3A_50 : i32 to vector<16xi32>
      %mul3A_52 = arith.muli %get3A_49, %mul3A_51 : vector<16xi32>
      %add3A_53 = arith.constant 32 : i32
      %add3A_54 = arith.addi %mul3A_39, %add3A_53 : i32
      %get3A_55 = arith.index_cast %add3A_54 : i32 to index
      %get3A_56 = tpu.vector_load %arg6[%get3A_55] {strides = array<i32>} : memref<32768xi32, #tpu.memory_space<vmem>>, vector<16xi32>,
      %mul3A_57 = arith.constant 128 : i32
      %mul3A_58 = vector.broadcast %mul3A_57 : i32 to vector<16xi32>
      %mul3A_59 = arith.muli %get3A_56, %mul3A_58 : vector<16xi32>
      %add3A_60 = arith.constant 48 : i32
      %add3A_61 = arith.addi %mul3A_39, %add3A_60 : i32
      %get3A_62 = arith.index_cast %add3A_61 : i32 to index
      %get3A_63 = tpu.vector_load %arg6[%get3A_62] {strides = array<i32>} : memref<32768xi32, #tpu.memory_space<vmem>>, vector<16xi32>,
      %mul3A_64 = arith.constant 128 : i32
      %mul3A_65 = vector.broadcast %mul3A_64 : i32 to vector<16xi32>
      %mul3A_66 = arith.muli %get3A_63, %mul3A_65 : vector<16xi32>
      %parallel_loop3A = arith.constant 0 : i32
      %parallel_loop3A_67 = arith.constant 128 : i32
      %parallel_loop3A_68 = arith.constant 1 : i32
      scf.for %parallel_loop3A_123 = %parallel_loop3A to %parallel_loop3A_67 step %parallel_loop3A_68  : i32 {
        %parallel_loop3A_124 = arith.constant 9 : i32
        %parallel_loop3A_125 = vector.broadcast %parallel_loop3A_124 : i32 to vector<16xi32>
        %parallel_loop3A_126 = arith.muli %iota3A, %parallel_loop3A_125 : vector<16xi32>
        %parallel_loop3A_127 = vector.broadcast %parallel_loop3A_123 : i32 to vector<16xi32>
        %parallel_loop3A_128 = arith.addi %parallel_loop3A_126, %parallel_loop3A_127 : vector<16xi32>
        %parallel_loop3A_129 = arith.constant 127 : i32
        %parallel_loop3A_130 = vector.broadcast %parallel_loop3A_129 : i32 to vector<16xi32>
        %parallel_loop3A_131 = arith.andi %parallel_loop3A_128, %parallel_loop3A_130 : vector<16xi32>
        %parallel_loop3A_132 = arith.addi %mul3A_45, %parallel_loop3A_131 : vector<16xi32>
        %parallel_loop3A_133 = tpu.vector_load_idx %arg5[%parallel_loop3A_132] : memref<34560xf32, #tpu.memory_space<vmem>>[vector<16xi32>], vector<16xf32>,
        %parallel_loop3A_134 = arith.addi %add3A_8, %parallel_loop3A_131 : vector<16xi32>
        tpu.vector_store_idx %arg7[%parallel_loop3A_134], %parallel_loop3A_133 : memref<8192xf32, #tpu.memory_space<vmem>>[vector<16xi32>], vector<16xf32>,
        %parallel_loop3A_135 = arith.addi %mul3A_52, %parallel_loop3A_131 : vector<16xi32>
        %parallel_loop3A_136 = tpu.vector_load_idx %arg5[%parallel_loop3A_135] : memref<34560xf32, #tpu.memory_space<vmem>>[vector<16xi32>], vector<16xf32>,
        %parallel_loop3A_137 = arith.addi %add3A_14, %parallel_loop3A_131 : vector<16xi32>
        tpu.vector_store_idx %arg7[%parallel_loop3A_137], %parallel_loop3A_136 : memref<8192xf32, #tpu.memory_space<vmem>>[vector<16xi32>], vector<16xf32>,
        %parallel_loop3A_138 = arith.addi %mul3A_59, %parallel_loop3A_131 : vector<16xi32>
        %parallel_loop3A_139 = tpu.vector_load_idx %arg5[%parallel_loop3A_138] : memref<34560xf32, #tpu.memory_space<vmem>>[vector<16xi32>], vector<16xf32>,
        %parallel_loop3A_140 = arith.addi %add3A_20, %parallel_loop3A_131 : vector<16xi32>
        tpu.vector_store_idx %arg7[%parallel_loop3A_140], %parallel_loop3A_139 : memref<8192xf32, #tpu.memory_space<vmem>>[vector<16xi32>], vector<16xf32>,
        %parallel_loop3A_141 = arith.addi %mul3A_66, %parallel_loop3A_131 : vector<16xi32>
        %parallel_loop3A_142 = tpu.vector_load_idx %arg5[%parallel_loop3A_141] : memref<34560xf32, #tpu.memory_space<vmem>>[vector<16xi32>], vector<16xf32>,
        %parallel_loop3A_143 = arith.addi %add3A_26, %parallel_loop3A_131 : vector<16xi32>
        tpu.vector_store_idx %arg7[%parallel_loop3A_143], %parallel_loop3A_142 : memref<8192xf32, #tpu.memory_space<vmem>>[vector<16xi32>], vector<16xf32>,
      } {sc.loop_unroll_factor = 16 : i64, sc.parallel_access}
      %mul3A_69 = arith.constant 64 : i32
      %mul3A_70 = arith.muli %mul3A_37, %mul3A_69 : i32
      %add3A_71 = arith.addi %mul3A_2, %mul3A_70 : i32
      %mul3A_72 = arith.constant 128 : i32
      %mul3A_73 = arith.muli %add3A_71, %mul3A_72 : i32
      %dma_start3A = tpu.memref_slice %arg4[%mul3A_73] : memref<134217728xf32, #tpu.memory_space<hbm>> -> memref<8192xf32, #tpu.memory_space<hbm>>
      %dma_start3A_74 = tpu.memref_slice %arg4[%mul3A_73] : memref<134217728xf32, #tpu.memory_space<hbm>> -> memref<8192xf32, #tpu.memory_space<hbm>>
      tpu.enqueue_dma source(%arg7 : memref<8192xf32, #tpu.memory_space<vmem>>) target(%dma_start3A_74 : memref<8192xf32, #tpu.memory_space<hbm>>) target_semaphore(%arg9 : memref<!tpu.dma_semaphore, #tpu.memory_space<semaphore_mem>>)
      %gt3A = arith.constant 0 : i32
      %gt3A_75 = arith.cmpi sgt, %scan3A_35, %gt3A : i32
      %convert_element_type3A = arith.extui %gt3A_75 : i1 to i32
      %cond3A = arith.constant 0 : i32
      %cond3A_76 = arith.cmpi ne, %convert_element_type3A, %cond3A : i32
      scf.if %cond3A_76 {
        %mul3A_123 = arith.constant 128 : i32
        %mul3A_124 = arith.muli %mul3A_2, %mul3A_123 : i32
        %dma_wait3A_125 = tpu.memref_slice %arg4[%mul3A_124] : memref<134217728xf32, #tpu.memory_space<hbm>> -> memref<8192xf32, #tpu.memory_space<hbm>>
        %dma_wait3A_126 = tpu.memref_slice %arg4[%mul3A_124] : memref<134217728xf32, #tpu.memory_space<hbm>> -> memref<8192xf32, #tpu.memory_space<hbm>>
        tpu.wait_dma2 semaphore(%arg10 : memref<!tpu.dma_semaphore, #tpu.memory_space<semaphore_mem>>) src(%arg8 : memref<8192xf32, #tpu.memory_space<vmem>>) dst(%dma_wait3A_126 : memref<8192xf32, #tpu.memory_space<hbm>>)
      } else {
      }
      %add3A_77 = arith.constant 1 : i32
      %add3A_78 = arith.addi %mul3A_37, %add3A_77 : i32
      %mul3A_79 = arith.constant 64 : i32
      %mul3A_80 = arith.muli %add3A_78, %mul3A_79 : i32
      %add3A_81 = arith.constant 0 : i32
      %add3A_82 = arith.addi %mul3A_80, %add3A_81 : i32
      %get3A_83 = arith.index_cast %add3A_82 : i32 to index
      %get3A_84 = tpu.vector_load %arg6[%get3A_83] {strides = array<i32>} : memref<32768xi32, #tpu.memory_space<vmem>>, vector<16xi32>,
      %mul3A_85 = arith.constant 128 : i32
      %mul3A_86 = vector.broadcast %mul3A_85 : i32 to vector<16xi32>
      %mul3A_87 = arith.muli %get3A_84, %mul3A_86 : vector<16xi32>
      %add3A_88 = arith.constant 16 : i32
      %add3A_89 = arith.addi %mul3A_80, %add3A_88 : i32
      %get3A_90 = arith.index_cast %add3A_89 : i32 to index
      %get3A_91 = tpu.vector_load %arg6[%get3A_90] {strides = array<i32>} : memref<32768xi32, #tpu.memory_space<vmem>>, vector<16xi32>,
      %mul3A_92 = arith.constant 128 : i32
      %mul3A_93 = vector.broadcast %mul3A_92 : i32 to vector<16xi32>
      %mul3A_94 = arith.muli %get3A_91, %mul3A_93 : vector<16xi32>
      %add3A_95 = arith.constant 32 : i32
      %add3A_96 = arith.addi %mul3A_80, %add3A_95 : i32
      %get3A_97 = arith.index_cast %add3A_96 : i32 to index
      %get3A_98 = tpu.vector_load %arg6[%get3A_97] {strides = array<i32>} : memref<32768xi32, #tpu.memory_space<vmem>>, vector<16xi32>,
      %mul3A_99 = arith.constant 128 : i32
      %mul3A_100 = vector.broadcast %mul3A_99 : i32 to vector<16xi32>
      %mul3A_101 = arith.muli %get3A_98, %mul3A_100 : vector<16xi32>
      %add3A_102 = arith.constant 48 : i32
      %add3A_103 = arith.addi %mul3A_80, %add3A_102 : i32
      %get3A_104 = arith.index_cast %add3A_103 : i32 to index
      %get3A_105 = tpu.vector_load %arg6[%get3A_104] {strides = array<i32>} : memref<32768xi32, #tpu.memory_space<vmem>>, vector<16xi32>,
      %mul3A_106 = arith.constant 128 : i32
      %mul3A_107 = vector.broadcast %mul3A_106 : i32 to vector<16xi32>
      %mul3A_108 = arith.muli %get3A_105, %mul3A_107 : vector<16xi32>
      %parallel_loop3A_109 = arith.constant 0 : i32
      %parallel_loop3A_110 = arith.constant 128 : i32
      %parallel_loop3A_111 = arith.constant 1 : i32
      scf.for %parallel_loop3A_123 = %parallel_loop3A_109 to %parallel_loop3A_110 step %parallel_loop3A_111  : i32 {
        %parallel_loop3A_124 = arith.constant 9 : i32
        %parallel_loop3A_125 = vector.broadcast %parallel_loop3A_124 : i32 to vector<16xi32>
        %parallel_loop3A_126 = arith.muli %iota3A, %parallel_loop3A_125 : vector<16xi32>
        %parallel_loop3A_127 = vector.broadcast %parallel_loop3A_123 : i32 to vector<16xi32>
        %parallel_loop3A_128 = arith.addi %parallel_loop3A_126, %parallel_loop3A_127 : vector<16xi32>
        %parallel_loop3A_129 = arith.constant 127 : i32
        %parallel_loop3A_130 = vector.broadcast %parallel_loop3A_129 : i32 to vector<16xi32>
        %parallel_loop3A_131 = arith.andi %parallel_loop3A_128, %parallel_loop3A_130 : vector<16xi32>
        %parallel_loop3A_132 = arith.addi %mul3A_87, %parallel_loop3A_131 : vector<16xi32>
        %parallel_loop3A_133 = tpu.vector_load_idx %arg5[%parallel_loop3A_132] : memref<34560xf32, #tpu.memory_space<vmem>>[vector<16xi32>], vector<16xf32>,
        %parallel_loop3A_134 = arith.addi %add3A_8, %parallel_loop3A_131 : vector<16xi32>
        tpu.vector_store_idx %arg8[%parallel_loop3A_134], %parallel_loop3A_133 : memref<8192xf32, #tpu.memory_space<vmem>>[vector<16xi32>], vector<16xf32>,
        %parallel_loop3A_135 = arith.addi %mul3A_94, %parallel_loop3A_131 : vector<16xi32>
        %parallel_loop3A_136 = tpu.vector_load_idx %arg5[%parallel_loop3A_135] : memref<34560xf32, #tpu.memory_space<vmem>>[vector<16xi32>], vector<16xf32>,
        %parallel_loop3A_137 = arith.addi %add3A_14, %parallel_loop3A_131 : vector<16xi32>
        tpu.vector_store_idx %arg8[%parallel_loop3A_137], %parallel_loop3A_136 : memref<8192xf32, #tpu.memory_space<vmem>>[vector<16xi32>], vector<16xf32>,
        %parallel_loop3A_138 = arith.addi %mul3A_101, %parallel_loop3A_131 : vector<16xi32>
        %parallel_loop3A_139 = tpu.vector_load_idx %arg5[%parallel_loop3A_138] : memref<34560xf32, #tpu.memory_space<vmem>>[vector<16xi32>], vector<16xf32>,
        %parallel_loop3A_140 = arith.addi %add3A_20, %parallel_loop3A_131 : vector<16xi32>
        tpu.vector_store_idx %arg8[%parallel_loop3A_140], %parallel_loop3A_139 : memref<8192xf32, #tpu.memory_space<vmem>>[vector<16xi32>], vector<16xf32>,
        %parallel_loop3A_141 = arith.addi %mul3A_108, %parallel_loop3A_131 : vector<16xi32>
        %parallel_loop3A_142 = tpu.vector_load_idx %arg5[%parallel_loop3A_141] : memref<34560xf32, #tpu.memory_space<vmem>>[vector<16xi32>], vector<16xf32>,
        %parallel_loop3A_143 = arith.addi %add3A_26, %parallel_loop3A_131 : vector<16xi32>
        tpu.vector_store_idx %arg8[%parallel_loop3A_143], %parallel_loop3A_142 : memref<8192xf32, #tpu.memory_space<vmem>>[vector<16xi32>], vector<16xf32>,
      } {sc.loop_unroll_factor = 16 : i64, sc.parallel_access}
      %dma_wait3A_112 = tpu.memref_slice %arg4[%mul3A_73] : memref<134217728xf32, #tpu.memory_space<hbm>> -> memref<8192xf32, #tpu.memory_space<hbm>>
      %dma_wait3A_113 = tpu.memref_slice %arg4[%mul3A_73] : memref<134217728xf32, #tpu.memory_space<hbm>> -> memref<8192xf32, #tpu.memory_space<hbm>>
      tpu.wait_dma2 semaphore(%arg9 : memref<!tpu.dma_semaphore, #tpu.memory_space<semaphore_mem>>) src(%arg7 : memref<8192xf32, #tpu.memory_space<vmem>>) dst(%dma_wait3A_113 : memref<8192xf32, #tpu.memory_space<hbm>>)
      %add3A_114 = arith.constant 1 : i32
      %add3A_115 = arith.addi %mul3A_37, %add3A_114 : i32
      %mul3A_116 = arith.constant 64 : i32
      %mul3A_117 = arith.muli %add3A_115, %mul3A_116 : i32
      %add3A_118 = arith.addi %mul3A_2, %mul3A_117 : i32
      %mul3A_119 = arith.constant 128 : i32
      %mul3A_120 = arith.muli %add3A_118, %mul3A_119 : i32
      %dma_start3A_121 = tpu.memref_slice %arg4[%mul3A_120] : memref<134217728xf32, #tpu.memory_space<hbm>> -> memref<8192xf32, #tpu.memory_space<hbm>>
      %dma_start3A_122 = tpu.memref_slice %arg4[%mul3A_120] : memref<134217728xf32, #tpu.memory_space<hbm>> -> memref<8192xf32, #tpu.memory_space<hbm>>
      tpu.enqueue_dma source(%arg8 : memref<8192xf32, #tpu.memory_space<vmem>>) target(%dma_start3A_122 : memref<8192xf32, #tpu.memory_space<hbm>>) target_semaphore(%arg10 : memref<!tpu.dma_semaphore, #tpu.memory_space<semaphore_mem>>)
    }
    %scan3A_31 = arith.constant 256 : i32
    %mul3A_32 = arith.constant 128 : i32
    %mul3A_33 = arith.muli %mul3A_2, %mul3A_32 : i32
    %dma_wait3A = tpu.memref_slice %arg4[%mul3A_33] : memref<134217728xf32, #tpu.memory_space<hbm>> -> memref<8192xf32, #tpu.memory_space<hbm>>
    %dma_wait3A_34 = tpu.memref_slice %arg4[%mul3A_33] : memref<134217728xf32, #tpu.memory_space<hbm>> -> memref<8192xf32, #tpu.memory_space<hbm>>
    tpu.wait_dma2 semaphore(%arg10 : memref<!tpu.dma_semaphore, #tpu.memory_space<semaphore_mem>>) src(%arg8 : memref<8192xf32, #tpu.memory_space<vmem>>) dst(%dma_wait3A_34 : memref<8192xf32, #tpu.memory_space<hbm>>)
    return
  }
}

module attributes {stable_mosaic.version = 14 : i64} {
  func.func @_table_kernel(%arg0: memref<139x128xf32, #tpu.memory_space<vmem>>, %arg1: memref<270x128xf32, #tpu.memory_space<vmem>>) attributes {dimension_semantics = [], scalar_prefetch = 0 : i64, scratch_operands = 0 : i64, tpu.core_type = #tpu.core_type<tc>} {
    %get3A = arith.constant 131 : index
    %get3A_0 = arith.constant 0 : index
    %get3A_1 = vector.load %arg0[%get3A, %get3A_0] : memref<139x128xf32, #tpu.memory_space<vmem>>, vector<1x128xf32>
    %get3A_2 = arith.constant 65 : index
    %get3A_3 = arith.constant 0 : index
    %get3A_4 = vector.load %arg0[%get3A_2, %get3A_3] : memref<139x128xf32, #tpu.memory_space<vmem>>, vector<1x128xf32>
    %add3A = arith.addf %get3A_4, %get3A_1 : vector<1x128xf32>
    %get3A_5 = arith.constant 133 : index
    %get3A_6 = arith.constant 0 : index
    %get3A_7 = vector.load %arg0[%get3A_5, %get3A_6] : memref<139x128xf32, #tpu.memory_space<vmem>>, vector<5x128xf32>
    %add3A_8 = vector.broadcast %add3A : vector<1x128xf32> to vector<5x128xf32>
    %add3A_9 = arith.addf %add3A_8, %get3A_7 : vector<5x128xf32>
    %get3A_10 = arith.constant 0 : index
    %get3A_11 = arith.constant 0 : index
    %get3A_12 = vector.load %arg0[%get3A_10, %get3A_11] : memref<139x128xf32, #tpu.memory_space<vmem>>, vector<65x128xf32>
    %add3A_13 = vector.broadcast %get3A_1 : vector<1x128xf32> to vector<65x128xf32>
    %add3A_14 = arith.addf %get3A_12, %add3A_13 : vector<65x128xf32>
    %get3A_15 = arith.constant 138 : index
    %get3A_16 = arith.constant 0 : index
    %get3A_17 = vector.load %arg0[%get3A_15, %get3A_16] : memref<139x128xf32, #tpu.memory_space<vmem>>, vector<1x128xf32>
    %add3A_18 = vector.broadcast %get3A_17 : vector<1x128xf32> to vector<65x128xf32>
    %add3A_19 = arith.addf %add3A_14, %add3A_18 : vector<65x128xf32>
    %get3A_20 = arith.constant 32 : index
    %get3A_21 = arith.constant 0 : index
    %get3A_22 = vector.load %arg0[%get3A_20, %get3A_21] : memref<139x128xf32, #tpu.memory_space<vmem>>, vector<1x128xf32>
    %get3A_23 = arith.constant 66 : index
    %get3A_24 = arith.constant 0 : index
    %get3A_25 = vector.load %arg0[%get3A_23, %get3A_24] : memref<139x128xf32, #tpu.memory_space<vmem>>, vector<65x128xf32>
    %add3A_26 = vector.broadcast %get3A_22 : vector<1x128xf32> to vector<65x128xf32>
    %add3A_27 = arith.addf %add3A_26, %get3A_25 : vector<65x128xf32>
    %get3A_28 = arith.constant 138 : index
    %get3A_29 = arith.constant 0 : index
    %get3A_30 = vector.load %arg0[%get3A_28, %get3A_29] : memref<139x128xf32, #tpu.memory_space<vmem>>, vector<1x128xf32>
    %add3A_31 = vector.broadcast %get3A_30 : vector<1x128xf32> to vector<65x128xf32>
    %add3A_32 = arith.addf %add3A_27, %add3A_31 : vector<65x128xf32>
    %concatenate3A = tpu.concatenate %add3A_9, %add3A_19, %add3A_32 in 0 : vector<5x128xf32>, vector<65x128xf32>, vector<65x128xf32> -> vector<135x128xf32>
    %get3A_33 = arith.constant 132 : index
    %get3A_34 = arith.constant 0 : index
    %get3A_35 = vector.load %arg0[%get3A_33, %get3A_34] : memref<139x128xf32, #tpu.memory_space<vmem>>, vector<1x128xf32>
    %add3A_36 = vector.broadcast %get3A_35 : vector<1x128xf32> to vector<135x128xf32>
    %add3A_37 = arith.addf %concatenate3A, %add3A_36 : vector<135x128xf32>
    %concatenate3A_38 = tpu.concatenate %concatenate3A, %add3A_37 in 0 : vector<135x128xf32>, vector<135x128xf32> -> vector<270x128xf32>
    %swap3A = arith.constant 0 : index
    %swap3A_39 = arith.constant 0 : index
    %swap3A_40 = vector.load %arg1[%swap3A, %swap3A_39] : memref<270x128xf32, #tpu.memory_space<vmem>>, vector<270x128xf32>
    tpu.vector_store %arg1[%swap3A, %swap3A_39], %concatenate3A_38 {strides = array<i32>} : memref<270x128xf32, #tpu.memory_space<vmem>>, vector<270x128xf32>,
    return
  }
}

module attributes {stable_mosaic.version = 14 : i64} {
  func.func @_index_kernel(%arg0: i32, %arg1: memref<128x5xf32, #tpu.memory_space<vmem>>, %arg2: memref<5x1024xf32, #tpu.memory_space<vmem>>, %arg3: memref<128x1024xi32, #tpu.memory_space<vmem>>) attributes {dimension_semantics = [#tpu.dimension_semantics<arbitrary>], iteration_bounds = array<i64: 8>, scalar_prefetch = 0 : i64, scratch_operands = 0 : i64, tpu.core_type = #tpu.core_type<tc>, window_params = [{transform_indices = @transform_0, window_bounds = array<i64: 128, 5>}, {pipeline_mode = #tpu.pipeline_mode<synchronous>, transform_indices = @transform_1, window_bounds = array<i64: 5, 1024>}, {transform_indices = @transform_2, window_bounds = array<i64: 128, 1024>}]} {
    %get3A = arith.constant 0 : index
    %get3A_0 = arith.constant 0 : index
    %get3A_1 = vector.load %arg1[%get3A, %get3A_0] : memref<128x5xf32, #tpu.memory_space<vmem>>, vector<128x5xf32>
    %get3A_2 = arith.constant 0 : index
    %get3A_3 = arith.constant 0 : index
    %get3A_4 = vector.load %arg2[%get3A_2, %get3A_3] : memref<5x1024xf32, #tpu.memory_space<vmem>>, vector<5x1024xf32>
    %slice3A = vector.extract_strided_slice %get3A_1 {offsets = [0, 0], sizes = [128, 1], strides = [1, 1]} : vector<128x5xf32> to vector<128x1xf32>
    %slice3A_5 = vector.extract_strided_slice %get3A_1 {offsets = [0, 1], sizes = [128, 1], strides = [1, 1]} : vector<128x5xf32> to vector<128x1xf32>
    %slice3A_6 = vector.extract_strided_slice %get3A_1 {offsets = [0, 2], sizes = [128, 1], strides = [1, 1]} : vector<128x5xf32> to vector<128x1xf32>
    %slice3A_7 = vector.extract_strided_slice %get3A_1 {offsets = [0, 3], sizes = [128, 1], strides = [1, 1]} : vector<128x5xf32> to vector<128x1xf32>
    %slice3A_8 = vector.extract_strided_slice %get3A_1 {offsets = [0, 4], sizes = [128, 1], strides = [1, 1]} : vector<128x5xf32> to vector<128x1xf32>
    %slice3A_9 = vector.extract_strided_slice %get3A_4 {offsets = [0, 0], sizes = [1, 1024], strides = [1, 1]} : vector<5x1024xf32> to vector<1x1024xf32>
    %slice3A_10 = vector.extract_strided_slice %get3A_4 {offsets = [1, 0], sizes = [1, 1024], strides = [1, 1]} : vector<5x1024xf32> to vector<1x1024xf32>
    %slice3A_11 = vector.extract_strided_slice %get3A_4 {offsets = [2, 0], sizes = [1, 1024], strides = [1, 1]} : vector<5x1024xf32> to vector<1x1024xf32>
    %slice3A_12 = vector.extract_strided_slice %get3A_4 {offsets = [3, 0], sizes = [1, 1024], strides = [1, 1]} : vector<5x1024xf32> to vector<1x1024xf32>
    %slice3A_13 = vector.extract_strided_slice %get3A_4 {offsets = [4, 0], sizes = [1, 1024], strides = [1, 1]} : vector<5x1024xf32> to vector<1x1024xf32>
    %sub3A = vector.broadcast %slice3A : vector<128x1xf32> to vector<128x1024xf32>
    %sub3A_14 = vector.broadcast %slice3A_9 : vector<1x1024xf32> to vector<128x1024xf32>
    %sub3A_15 = arith.subf %sub3A, %sub3A_14 : vector<128x1024xf32>
    %add3A = arith.constant 3.200000e+01 : f32
    %add3A_16 = vector.broadcast %add3A : f32 to vector<128x1024xf32>
    %add3A_17 = arith.addf %sub3A_15, %add3A_16 : vector<128x1024xf32>
    %jit3A = arith.constant 0.000000e+00 : f32
    %jit3A_18 = arith.constant 6.400000e+01 : f32
    %max3A = vector.broadcast %jit3A : f32 to vector<128x1024xf32>
    %max3A_19 = arith.maximumf %max3A, %add3A_17 : vector<128x1024xf32>
    %min3A = vector.broadcast %jit3A_18 : f32 to vector<128x1024xf32>
    %min3A_20 = arith.minimumf %min3A, %max3A_19 : vector<128x1024xf32>
    %sub3A_21 = vector.broadcast %slice3A_5 : vector<128x1xf32> to vector<128x1024xf32>
    %sub3A_22 = vector.broadcast %slice3A_10 : vector<1x1024xf32> to vector<128x1024xf32>
    %sub3A_23 = arith.subf %sub3A_21, %sub3A_22 : vector<128x1024xf32>
    %add3A_24 = arith.constant 3.200000e+01 : f32
    %add3A_25 = vector.broadcast %add3A_24 : f32 to vector<128x1024xf32>
    %add3A_26 = arith.addf %sub3A_23, %add3A_25 : vector<128x1024xf32>
    %jit3A_27 = arith.constant 0.000000e+00 : f32
    %jit3A_28 = arith.constant 6.400000e+01 : f32
    %max3A_29 = vector.broadcast %jit3A_27 : f32 to vector<128x1024xf32>
    %max3A_30 = arith.maximumf %max3A_29, %add3A_26 : vector<128x1024xf32>
    %min3A_31 = vector.broadcast %jit3A_28 : f32 to vector<128x1024xf32>
    %min3A_32 = arith.minimumf %min3A_31, %max3A_30 : vector<128x1024xf32>
    %sub3A_33 = vector.broadcast %slice3A_8 : vector<128x1xf32> to vector<128x1024xf32>
    %sub3A_34 = vector.broadcast %slice3A_13 : vector<1x1024xf32> to vector<128x1024xf32>
    %sub3A_35 = arith.subf %sub3A_33, %sub3A_34 : vector<128x1024xf32>
    %add3A_36 = arith.constant 2.000000e+00 : f32
    %add3A_37 = vector.broadcast %add3A_36 : f32 to vector<128x1024xf32>
    %add3A_38 = arith.addf %sub3A_35, %add3A_37 : vector<128x1024xf32>
    %jit3A_39 = arith.constant 0.000000e+00 : f32
    %jit3A_40 = arith.constant 4.000000e+00 : f32
    %max3A_41 = vector.broadcast %jit3A_39 : f32 to vector<128x1024xf32>
    %max3A_42 = arith.maximumf %max3A_41, %add3A_38 : vector<128x1024xf32>
    %min3A_43 = vector.broadcast %jit3A_40 : f32 to vector<128x1024xf32>
    %min3A_44 = arith.minimumf %min3A_43, %max3A_42 : vector<128x1024xf32>
    %eq3A = vector.broadcast %slice3A_6 : vector<128x1xf32> to vector<128x1024xf32>
    %eq3A_45 = vector.broadcast %slice3A_11 : vector<1x1024xf32> to vector<128x1024xf32>
    %eq3A_46 = arith.cmpf oeq, %eq3A, %eq3A_45 : vector<128x1024xf32>
    %eq3A_47 = vector.broadcast %slice3A : vector<128x1xf32> to vector<128x1024xf32>
    %eq3A_48 = vector.broadcast %slice3A_9 : vector<1x1024xf32> to vector<128x1024xf32>
    %eq3A_49 = arith.cmpf oeq, %eq3A_47, %eq3A_48 : vector<128x1024xf32>
    %add3A_50 = arith.constant 7.000000e+01 : f32
    %add3A_51 = vector.broadcast %add3A_50 : f32 to vector<128x1024xf32>
    %add3A_52 = arith.addf %add3A_51, %min3A_32 : vector<128x1024xf32>
    %add3A_53 = arith.constant 5.000000e+00 : f32
    %add3A_54 = vector.broadcast %add3A_53 : f32 to vector<128x1024xf32>
    %add3A_55 = arith.addf %add3A_54, %min3A_20 : vector<128x1024xf32>
    %select_n3A = arith.select %eq3A_49, %add3A_52, %add3A_55 : vector<128x1024xi1>, vector<128x1024xf32>
    %select_n3A_56 = arith.select %eq3A_46, %select_n3A, %min3A_44 : vector<128x1024xi1>, vector<128x1024xf32>
    %eq3A_57 = vector.broadcast %slice3A_7 : vector<128x1xf32> to vector<128x1024xf32>
    %eq3A_58 = vector.broadcast %slice3A_12 : vector<1x1024xf32> to vector<128x1024xf32>
    %eq3A_59 = arith.cmpf oeq, %eq3A_57, %eq3A_58 : vector<128x1024xf32>
    %jit3A_60 = arith.constant 1.350000e+02 : f32
    %jit3A_61 = arith.constant 0.000000e+00 : f32
    %broadcast_in_dim3A = vector.broadcast %jit3A_60 : f32 to vector<128x1024xf32>
    %broadcast_in_dim3A_62 = vector.broadcast %jit3A_61 : f32 to vector<128x1024xf32>
    %select_n3A_63 = arith.select %eq3A_59, %broadcast_in_dim3A, %broadcast_in_dim3A_62 : vector<128x1024xi1>, vector<128x1024xf32>
    %add3A_64 = arith.addf %select_n3A_56, %select_n3A_63 : vector<128x1024xf32>
    %convert_element_type3A = arith.fptosi %add3A_64 : vector<128x1024xf32> to vector<128x1024xi32>
    %swap3A = arith.constant 0 : index
    %swap3A_65 = arith.constant 0 : index
    %swap3A_66 = vector.load %arg3[%swap3A, %swap3A_65] : memref<128x1024xi32, #tpu.memory_space<vmem>>, vector<128x1024xi32>
    tpu.vector_store %arg3[%swap3A, %swap3A_65], %convert_element_type3A {strides = array<i32>} : memref<128x1024xi32, #tpu.memory_space<vmem>>, vector<128x1024xi32>,
    return
  }
  func.func @transform_0(%arg0: i32) -> (i32, i32) {
    %c0_i32 = arith.constant 0 : i32
    %c0_i32_0 = arith.constant 0 : i32
    return %arg0, %c0_i32 : i32, i32
  }
  func.func @transform_1(%arg0: i32) -> (i32, i32) {
    %c0_i32 = arith.constant 0 : i32
    %c0_i32_0 = arith.constant 0 : i32
    %c0_i32_1 = arith.constant 0 : i32
    return %c0_i32, %c0_i32_0 : i32, i32
  }
  func.func @transform_2(%arg0: i32) -> (i32, i32) {
    %c0_i32 = arith.constant 0 : i32
    %c0_i32_0 = arith.constant 0 : i32
    return %arg0, %c0_i32 : i32, i32
  }
}

</mosaic_0001>

<sc_bundles>
// kernel: kernel.5.cloned.1.call-start
scs
__scs_entry_jumppad:
0x0: {  	(pc) =	sbr.rel $0x88, $3  }
0x1: {  	(tag) =	ssettag $0x0;
	lr =	simm.s32 $0x1  }
0x2: {  	[smem:$0x3F9F] =	sst lr;
	_ =	strace $0xD0000000  }
0x3: {  	_ = 	snop  }
0x4: {  	_ = 	snop  }
0x5: {  	_ = 	snop  }
0x6: {  	_ = 	snop  }
0x7: {  	_ = 	snop  }
__scs_overlays_trampoline_lowered:
0x8: {  	[smem:$0x3FAE] =	sst s0  }
0x9: {  	[smem:$0x3FAF] =	sst s1  }
0xa: {  	[smem:$0x3FB0] =	sst s2  }
0xb: {  	[smem:$0x3FB1] =	sst s3  }
0xc: {  	[smem:$0x3FB2] =	sst s4  }
0xd: {  	[smem:$0x3FB3] =	sst s5  }
0xe: {  	[smem:$0x3FB4] =	sst s6  }
0xf: {  	[smem:$0x3FB5] =	sst s7  }
0x10: {  	[smem:$0x3FB6] =	sst s8  }
0x11: {  	[smem:$0x3FB7] =	sst s9;
	s0 =	simm.s32 @!p0 $0x0  }
0x12: {  	s1 =	sld [smem:$0x3F9D];
	s0 =	simm.s32 @p0 $0x1  }
0x13: {  	[smem:$0x3FB8] =	sst s0;
	s0 =	simm.s32 @!p1 $0x0  }
0x14: {  	s2 =	sld [smem:$0x3F9C];
	s0 =	simm.s32 @p1 $0x1  }
0x15: {  	[smem:$0x3FB9] =	sst s0;
	s0 =	simm.s32 @!p2 $0x0  }
0x16: {  	s3 =	sld [smem:$0x3FDB];
	s0 =	simm.s32 @p2 $0x1  }
0x17: {  	s4 =	simm.s32 $0x1BF5;
	[smem:$0x3FBB] =	sst s0  }
0x18: {  	s0 =	sld [smem:$0x3F9E];
	_ =	swait.ge [sflag:s4], $0x0  }
0x19: {  	s7 =	sld [smem:$0x3F9F]  }
0x1a: {  	s8 =	sadd.s32 $0xFFFFE003, lr  }
0x1b: {  	s9 =	sadd.s32 $0xFFFFFEF7, lr;
	s5 =	simm.s32 $0xFFFFFFFF;
	p2 =	slt.u32 s8, $0xFFFFF086  }
0x1c: {  	p1 =	slt.u32 s9, $0xF7A;
	s5 =	simm.s32 @!p2 $0x0  }
0x1d: {  	s5 =	simm.s32 @p1 $0x1;
	p0 =	seq.s32 s7, s2  }
0x1e: {  	s7 =	smul.u32 @!p0 $0xF7A, s2;
	p2 =	seq.s32 @!p0 s5, $0x0  }
0x1f: {  	s9 =	smul.u32 $0xF7A, s1;
	s8 =	simm.s32 @!p0 $0x1BF5;
	p2 =	por !p2, p0  }
0x20: {  	[sflag:s8] =	ssyncset.s32 @!p0 $0xFFFFF086;
	s6 =	sadd.s32 @!p0 s3, s7;
	s7 =	simm.s32 @!p0 $0x108  }
0x21: {  	s3 =	sadd.s32 s3, s9;
	s6 =	sadd.s32 @!p0 $0x88, s6;
	s7 =	simm.s32 @p2 $0x1082  }
0x22: {  	[simem:s7], [sflag:s8] =	dma.local @!p0 [hbm:s6], $0xF7A  }
0x23: {  	s9 =	sor.u32 $0xD0000000, s2;
	s6 =	simm.s32 $0x108;
	_ =	swait.ge @!p0 [sflag:s8], $0x0  }
0x24: {  	s3 =	sadd.s32 $0x88, s3;
	s6 =	simm.s32 @!p1 $0x1082;
	[sflag:s4] =	ssyncset.s32 $0xFFFFF086  }
0x25: {  	[simem:s6], [sflag:s4] =	dma.local [hbm:s3], $0xF7A  }
0x26: {  	[smem:$0x3F9F] =	sst s1;
	(tag) =	ssettag s2;
	_ =	strace s9  }
0x27: {  	s1 =	sld [smem:$0x3FAF]  }
0x28: {  	s2 =	sld [smem:$0x3FB0]  }
0x29: {  	s4 =	sld [smem:$0x3FB2]  }
0x2a: {  	p0 =	seq.s32 s5, $0x0;
	s5 =	sld [smem:$0x3FB3]  }
0x2b: {  	s6 =	sld [smem:$0x3FB4]  }
0x2c: {  	s7 =	sld [smem:$0x3FB5]  }
0x2d: {  	s3 =	simm.s32 $0x108;
	s8 =	sld [smem:$0x3FB6]  }
0x2e: {  	s3 =	simm.s32 @!p0 $0x1082;
	s9 =	sld [smem:$0x3FB7]  }
0x2f: {  	lr =	sadd.s32 s0, s3;
	s0 =	sld [smem:$0x3FAE]  }
0x30: {  	s3 =	sld [smem:$0x3FB1]  }
0x31: {  	[smem:$0x3FBA] =	sst s10  }
0x32: {  	s10 =	sld [smem:$0x3FB8];
	_ =	sdelay $0x3  }
0x33: {  	p0 =	seq.s32 s10, $0x1;
	s10 =	sld [smem:$0x3FBA];
	_ =	sdelay $0x3  }
0x34: {  	[smem:$0x3FBA] =	sst s10  }
0x35: {  	s10 =	sld [smem:$0x3FB9];
	_ =	sdelay $0x3  }
0x36: {  	p1 =	seq.s32 s10, $0x1;
	s10 =	sld [smem:$0x3FBA];
	_ =	sdelay $0x3  }
0x37: {  	[smem:$0x3FBA] =	sst s10  }
0x38: {  	s10 =	sld [smem:$0x3FBB]  }
0x39: {  	_ = 	snop;
	(pc) =	sbr.ind lr, $3  }
0x3a: {  	_ = 	snop  }
0x3b: {  	_ = 	snop  }
0x3c: {  	p2 =	seq.s32 s10, $0x1;
	s10 =	sld [smem:$0x3FBA]  }
0x3d: {  	_ =	shalt  }
0x3e: {  	_ =	shalt  }
0x3f: {  	_ =	shalt  }
0x40: {  	_ =	shalt  }
0x41: {  	_ =	shalt  }
0x42: {  	_ =	shalt  }
0x43: {  	_ =	shalt  }
0x44: {  	_ =	shalt  }
0x45: {  	_ =	shalt  }
0x46: {  	_ =	shalt  }
0x47: {  	_ =	shalt  }
0x48: {  	_ =	shalt  }
0x49: {  	_ =	shalt  }
0x4a: {  	_ =	shalt  }
0x4b: {  	_ =	shalt  }
0x4c: {  	_ =	shalt  }
0x4d: {  	_ =	shalt  }
0x4e: {  	_ =	shalt  }
0x4f: {  	_ =	shalt  }
0x50: {  	_ =	shalt  }
0x51: {  	_ =	shalt  }
0x52: {  	_ =	shalt  }
0x53: {  	_ =	shalt  }
0x54: {  	_ =	shalt  }
0x55: {  	_ =	shalt  }
0x56: {  	_ =	shalt  }
0x57: {  	_ =	shalt  }
0x58: {  	_ =	shalt  }
0x59: {  	_ =	shalt  }
0x5a: {  	_ =	shalt  }
0x5b: {  	_ =	shalt  }
0x5c: {  	_ =	shalt  }
0x5d: {  	_ =	shalt  }
0x5e: {  	_ =	shalt  }
0x5f: {  	_ =	shalt  }
0x60: {  	_ =	shalt  }
0x61: {  	_ =	shalt  }
0x62: {  	_ =	shalt  }
0x63: {  	_ =	shalt  }
0x64: {  	_ =	shalt  }
0x65: {  	_ =	shalt  }
0x66: {  	_ =	shalt  }
0x67: {  	_ =	shalt  }
0x68: {  	_ =	shalt  }
0x69: {  	_ =	shalt  }
0x6a: {  	_ =	shalt  }
0x6b: {  	_ =	shalt  }
0x6c: {  	_ =	shalt  }
0x6d: {  	_ =	shalt  }
0x6e: {  	_ =	shalt  }
0x6f: {  	_ =	shalt  }
0x70: {  	_ =	shalt  }
0x71: {  	_ =	shalt  }
0x72: {  	_ =	shalt  }
0x73: {  	_ =	shalt  }
0x74: {  	_ =	shalt  }
0x75: {  	_ =	shalt  }
0x76: {  	_ =	shalt  }
0x77: {  	_ =	shalt  }
0x78: {  	_ =	shalt  }
0x79: {  	_ =	shalt  }
0x7a: {  	_ =	shalt  }
0x7b: {  	_ =	shalt  }
0x7c: {  	_ =	shalt  }
0x7d: {  	_ =	shalt  }
0x7e: {  	_ =	shalt  }
0x7f: {  	_ =	shalt  }
0x80: {  	_ =	shalt  }
0x81: {  	_ =	shalt  }
0x82: {  	_ =	shalt  }
0x83: {  	_ =	shalt  }
0x84: {  	_ =	shalt  }
0x85: {  	_ =	shalt  }
0x86: {  	_ =	shalt  }
0x87: {  	_ =	shalt  }
.Lfunc_end0:
.L_simem_size_0:
called_computation_lowered:
.L_overlay_start_0:
0x88: {  	s2 =	sld [smem:$0x3FD9]  }
0x89: {  	s3 =	sld [smem:$0x3FFE];
	_ =	sdelay $0x1  }
0x8a: {  	s1 =	srdreg.scid  }
0x8b: {  	s0 =	sand.u32 $0x1, s1  }
0x8c: {  	s17 =	sshll.u32 s0, $0xA;
	s2 =	sadd.s32 s3, s2  }
0x8d: {  	s2 =	sadd.s32 s2, s17  }
0x8e: {  	[smem:$0x3FC6] =	sst s2  }
0x8f: {  	_ = 	snop  }
0x90: {  	s2 =	sld [smem:$0x3FD0];
	(tm) =	ssettm $0x1  }
0x91: {  	s18 =	sld [smem:$0x3FFB];
	_ =	sdelay $0x3  }
0x92: {  	_ =	strace s18  }
0x93: {  	s3 =	sld [smem:$0x3FFC];
	_ =	sdelay $0x3  }
0x94: {  	_ =	strace s3  }
0x95: {  	s3 =	sld [smem:$0x3FFD];
	_ =	sdelay $0x3  }
0x96: {  	_ =	strace s3  }
0x97: {  	_ =	strace $0x8FFFFFFF  }
0x98: {  	s19 =	sld [smem:$0x3FDB];
	_ =	sdelay $0x1  }
0x99: {  	s4 =	simm.s32 $_scs_section_size  }
0x9a: {  	s5 =	simm.s32 $_size__tile_overlayer_lowered;
	s6 =	simm.s32 $_tile_overlayer_lowered  }
0x9b: {  	s22 =	simm.s32 $0x1BFF;
	s21 =	sshll.u32 s6, $0x1;
	s3 =	sadd.s32 s4, s19  }
0x9c: {  	s7 =	simm.s32 $0x0;
	s20 =	sshll.u32 s5, $0x1;
	s5 =	sadd.s32 s21, s3  }
0x9d: {  	[timem:s7], [sflag:s22] =	dma.local [hbm:s5], s20  }
0x9e: {  	_ =	swait.ge [sflag:s22], s20  }
0x9f: {  	s4 =	ssub.s32 $0x0, s20;
	[sflag:s22] =	ssyncset.done $0x0  }
0xa0: {  	[sflag:s22] =	ssyncadd.s32 s4;
	_ =	sdelay $0x1  }
0xa1: {  	s23 =	simm.s32 $0x1B8B  }
0xa2: {  	_ =	swait.ge [sflag:s23], $0x1  }
0xa3: {  	[sflag:s23] =	ssyncset.done $0x0  }
0xa4: {  	s25 =	simm.s32 $0x1B8E;
	s24 =	sld [smem:$0x3FFE];
	[sflag:s23] =	ssyncadd.s32 $0xFFFFFFFF  }
0xa5: {  	s26 =	simm.s32 $execute0_lowered;
	[smem:$0x3FD2] =	sst s25  }
0xa6: {  	s5 =	sshll.u32 s26, $0x1;
	_ =	strace $0x80000046;
	[dreg:$0x1] =	wrdreg $0xFFFFFFFF  }
0xa7: {  	s28 =	simm.s32 $_size_execute0_lowered;
	s3 =	sadd.s32 s3, s5;
	[dreg:$0x0] =	wrdreg $0x0  }
0xa8: {  	s5 =	sshll.u32 s28, $0x1;
	[dreg:$0x2] =	wrdreg s3  }
0xa9: {  	[dreg:$0x3] =	wrdreg s5  }
0xaa: {  	[dreg:$0x4] =	wrdreg $0xC0  }
0xab: {  	_ =	task [dreg:s7], $0x5FFFF  }
0xac: {  	[dreg:$0x1] =	wrdreg $0xFFFFFFFF  }
0xad: {  	[dreg:$0x0] =	wrdreg $0x60  }
0xae: {  	[dreg:$0x2] =	wrdreg s24  }
0xaf: {  	[dreg:$0x3] =	wrdreg s2  }
0xb0: {  	[dreg:$0x4] =	wrdreg $0x9  }
0xb1: {  	_ =	task.clear_ibuf [dreg:s7], $0x5FFFF;
	_ =	strace $0x90000046  }
0xb2: {  	s29 =	simm.s32 $0x9;
	_ =	strace $0x80000048  }
0xb3: {  	_ =	swait.ge [sflag:s29], $0x1  }
0xb4: {  	[sflag:s29] =	ssyncadd.s32 $0xFFFFFFFF  }
0xb5: {  	_ =	strace $0x90000048  }
0xb6: {  	_ =	sfence  }
0xb7: {  	s30 =	sld [smem:$0x0];
	_ =	sdelay $0x2  }
0xb8: {  	s31 =	sshll.u32 s1, $0xD;
	s1 =	sshrl.u32 s1, $0x2  }
0xb9: {  	s3 =	sand.u32 $0x4000, s31;
	s1 =	sadd.s32 s1, s30  }
0xba: {  	s0 =	sor.u32 s3, s0;
	s1 =	sshll.u32 s1, $0x11  }
0xbb: {  	s0 =	sor.u32 s1, s0  }
0xbc: {  	s0 =	sadd.s32 $0x8F2B, s0  }
0xbd: {  	[sflag:s0] =	ssyncadd.remote.s32 $0x1  }
0xbe: {  	_ =	sfence.sel $0xFFFF  }
0xbf: {  	[dreg:$0x0] =	wrdreg $0xFFFFFFFF;
	(pc) =	sbr.abs _section_cstart, $3  }
0xc0: {  	[dreg:$0x1] =	wrdreg $0xFFFFFFFF  }
0xc1: {  	_ =	task.clear_ibuf [dreg:s7], $0x2FFFF;
	_ =	strace $0x9FFFFFFF  }
0xc2: {  	(tm) =	ssettm $0x7FFFFFFF  }
0xc3: {  	_ =	shalt  }
tec
execute0_lowered:
.L_overlay_start_1:
0x0: {  	(tag) =	ssettag $0x1  }
0x1: {  	s6 =	rddreg [dreg:$0x0]  }
0x2: {  	s2 =	rddreg [dreg:$0x1];
	s3 =	srdreg.scid  }
0x3: {  	s0 =	rddreg [dreg:$0x2];
	s1 =	stileid.u32;
	s10 =	simm.s32 $0x10700  }
0x4: {  	s11 =	simm.s32 $0x12700;
	s12 =	simm.s32 $0x1;
	s13 =	simm.s32 $0x2  }
0x5: {  	s14 =	simm.s32 $0x0;
	s5 =	sand.u32 $0x1, s3;
	s3 =	simm.s32 $0x0  }
0x6: {  	s4 =	sshll.u32 s1, $0x10;
	s7 =	sshll.u32 s5, $0xF;
	[smem:$0x7FF] =	sst s3  }
0x7: {  	v2 =	vlaneseq.u32;
	s31 =	ssub.s32 $0x2, s5;
	s5 =	sadd.s32 $0x800, s6;
	s4 =	sor.u32 s7, s4  }
0x8: {  	v0 =	vmul.u32 $0x80, v2;
	_ =	strace $0x80000047;
	s9 =	sshrl.u32 s31, $0x1;
	s8 =	sshrl.u32 s4, $0x3  }
0x9: {  	v1 =	vand.u32 $0x7, v2;
	v2 =	vmul.u32 $0x9, v2;
	s7 =	ssub.s32 s31, s9;
	s9 =	simm.s32 $0x8700;
	s6 =	sadd.s32 s8, s6  }
0xa: {  	v3 =	vor.u32 $0x800, v0;
	v4 =	vor.u32 $0x1000, v0;
	v5 =	vor.u32 $0x1800, v0;
	s7 =	smax.u32 s7, $0x1;
	s8 =	simm.s32 $0x3;
	s6 =	sadd.s32 $0x1A00, s6  }
.LBB2_1:
0xb: {  	[tilespmem:s3], [sflag:$0x3] =	stream.linear.gather [hbm4b:s5+s3], $0x8700, $0x38;
	[tilespmem:$0x14700] =	vst v63  }
0xc: {  	_ =	swait.ge [sflag:s8], $0x8700  }
0xd: {  	[sflag:s8] =	ssyncset.done $0x0  }
0xe: {  	[sflag:s8] =	ssyncadd.s32 $0xFFFF7900  }
0xf: {  	[tilespmem:s9], [sflag:$0x3] =	stream.linear.gather [hbm4b:s6+s3], $0x8000, $0x38;
	[tilespmem:$0x14700] =	vst v63  }
0x10: {  	_ =	swait.ge [sflag:s8], $0x8000  }
0x11: {  	[sflag:s8] =	ssyncset.done $0x0  }
0x12: {  	s15 =	simm.s32 $0x0;
	[sflag:s8] =	ssyncadd.s32 $0xFFFF8000  }
.LBB2_2:
0x13: {  	s16 =	sshll.u32 s15, $0x7  }
0x14: {  	v6 =	vld [tilespmem:s16+$0x8700];
	_ =	sdelay $0x3  }
0x15: {  	s18 =	simm.s32 $0xF  }
0x16: {  	s17 =	simm.s32 $0x0;
	v15 =	vld [tilespmem:s16+$0x8730];
	v17 =	vadd.s32 s18, v2;
	v9 =	vshll.u32 v6, $0x7  }
0x17: {  	v18 =	vand.u32 $0x7F, v17;
	v6 =	vadd.s32 s17, v2;
	v10 =	vor.u32 v1, v9  }
0x18: {  	v7 =	vld [tilespmem:s16+$0x8710];
	v14 =	vand.u32 $0x78, v6;
	v16 =	vand.u32 $0x7F, v6;
	v19 =	vor.u32 v9, v18  }
0x19: {  	v12 =	vor.u32 v14, v10;
	v6 =	vor.u32 v0, v16  }
0x1a: {  	v6 =	vand.u32 $0x7F8, v6  }
0x1b: {  	v21 =	vor.u32 v1, v6;
	v6 =	vshll.u32 v15, $0x7;
	v15 =	vor.u32 v0, v18  }
0x1c: {  	v13 =	vld [tilespmem:s16+$0x8720];
	v17 =	vand.u32 $0x7, v17;
	v15 =	vand.u32 $0x7F8, v15  }
0x1d: {  	s19 =	simm.s32 $0xE;
	s20 =	simm.s32 $0xD;
	v8 =	vshll.u32 v7, $0x7;
	v19 =	vld.idx.msk [tilespmem:v19+s3+$0x0], $0xffff;
	v15 =	vor.u32 v17, v15  }
0x1e: {  	s24 =	simm.s32 $0x9;
	s25 =	simm.s32 $0x8;
	v24 =	vadd.s32 s19, v2;
	v28 =	vadd.s32 s20, v2;
	v11 =	vor.u32 v1, v8;
	v20 =	vld.idx.msk [tilespmem:v12+s3+$0x0], $0xffff  }
0x1f: {  	v62 =	vadd.s32 s24, v2;
	v47 =	vadd.s32 s25, v2;
	v22 =	vor.u32 v14, v11  }
0x20: {  	v30 =	vand.u32 $0x7F, v28;
	v28 =	vand.u32 $0x7, v28;
	v29 =	vor.u32 v3, v18  }
0x21: {  	v32 =	vor.u32 v4, v18;
	v33 =	vor.u32 v5, v18;
	v35 =	vor.u32 v3, v30  }
0x22: {  	v29 =	vand.u32 $0xFF8, v29;
	v7 =	vshll.u32 v13, $0x7;
	v23 =	vor.u32 v3, v16;
	[tilespmem:v15+s10+$0x0] =	vst.idx.msk $0xffff, v19  }
0x23: {  	v12 =	vor.u32 v1, v7;
	v15 =	vor.u32 v9, v30;
	[tilespmem:v21+s10+$0x0] =	vst.idx.msk $0xffff, v20;
	v20 =	vand.u32 $0xFF8, v23  }
0x24: {  	v21 =	vand.u32 $0x7F, v24;
	v23 =	vor.u32 v8, v18;
	v22 =	vld.idx.msk [tilespmem:v22+s3+$0x0], $0xffff;
	v20 =	vor.u32 v1, v20  }
0x25: {  	v26 =	vor.u32 v14, v12;
	v25 =	vor.u32 v9, v21;
	v31 =	vor.u32 v0, v21  }
0x26: {  	v19 =	vor.u32 v17, v29;
	v29 =	vand.u32 $0x7F8, v31;
	v31 =	vor.u32 v0, v30  }
0x27: {  	v52 =	vor.u32 v5, v30;
	v54 =	vor.u32 v4, v30;
	v31 =	vand.u32 $0x7F8, v31  }
0x28: {  	v27 =	vor.u32 v5, v16;
	v16 =	vor.u32 v4, v16;
	v15 =	vld.idx.msk [tilespmem:v15+s3+$0x0], $0xffff;
	v31 =	vor.u32 v28, v31  }
0x29: {  	v48 =	vor.u32 v8, v30;
	v16 =	vand.u32 $0x17F8, v16;
	v23 =	vld.idx.msk [tilespmem:v23+s3+$0x0], $0xffff;
	[tilespmem:v20+s10+$0x0] =	vst.idx.msk $0xffff, v22;
	v20 =	vand.u32 $0x7, v24  }
0x2a: {  	v13 =	vor.u32 v1, v6;
	v24 =	vld.idx.msk [tilespmem:v25+s3+$0x0], $0xffff;
	v25 =	vand.u32 $0x1FF8, v27;
	v27 =	vor.u32 v20, v29  }
0x2b: {  	v16 =	vor.u32 v1, v16;
	v14 =	vor.u32 v14, v13;
	v22 =	vor.u32 v7, v18;
	v26 =	vld.idx.msk [tilespmem:v26+s3+$0x0], $0xffff  }
0x2c: {  	v49 =	vor.u32 v6, v21;
	v34 =	vor.u32 v5, v21;
	v18 =	vor.u32 v6, v18  }
0x2d: {  	v32 =	vand.u32 $0x17F8, v32;
	v25 =	vor.u32 v1, v25;
	v29 =	vor.u32 v8, v21;
	[tilespmem:v31+s10+$0x0] =	vst.idx.msk $0xffff, v15  }
0x2e: {  	s21 =	simm.s32 $0xC;
	v50 =	vand.u32 $0x1FF8, v34;
	v15 =	vor.u32 v7, v21;
	[tilespmem:v19+s10+$0x0] =	vst.idx.msk $0xffff, v23;
	v19 =	vor.u32 v17, v32  }
0x2f: {  	v23 =	vadd.s32 s21, v2;
	v32 =	vand.u32 $0x1FF8, v52;
	[tilespmem:v27+s10+$0x0] =	vst.idx.msk $0xffff, v24;
	v24 =	vor.u32 v3, v21  }
0x30: {  	v22 =	vld.idx.msk [tilespmem:v22+s3+$0x0], $0xffff;
	v27 =	vand.u32 $0x7F, v23;
	[tilespmem:v16+s10+$0x0] =	vst.idx.msk $0xffff, v26;
	v23 =	vand.u32 $0x7, v23;
	v16 =	vand.u32 $0xFF8, v24  }
0x31: {  	v24 =	vand.u32 $0x1FF8, v33;
	v26 =	vor.u32 v9, v27;
	v16 =	vor.u32 v20, v16  }
0x32: {  	v29 =	vld.idx.msk [tilespmem:v29+s3+$0x0], $0xffff;
	v17 =	vor.u32 v17, v24;
	v24 =	vor.u32 v4, v21;
	v21 =	vand.u32 $0xFF8, v35  }
0x33: {  	v31 =	vld.idx.msk [tilespmem:v48+s3+$0x0], $0xffff;
	v51 =	vor.u32 v0, v27;
	v53 =	vor.u32 v8, v27;
	v21 =	vor.u32 v28, v21  }
0x34: {  	v14 =	vld.idx.msk [tilespmem:v14+s3+$0x0], $0xffff;
	v56 =	vor.u32 v5, v27;
	v36 =	vor.u32 v3, v27;
	v37 =	vor.u32 v4, v27  }
0x35: {  	v24 =	vand.u32 $0x17F8, v24;
	[tilespmem:v19+s10+$0x0] =	vst.idx.msk $0xffff, v22;
	v19 =	vor.u32 v20, v50;
	v22 =	vand.u32 $0x7F8, v51  }
0x36: {  	s22 =	simm.s32 $0xB;
	v20 =	vor.u32 v20, v24;
	v24 =	vor.u32 v7, v30;
	v22 =	vor.u32 v23, v22;
	v26 =	vld.idx.msk [tilespmem:v26+s3+$0x0], $0xffff  }
0x37: {  	s28 =	simm.s32 $0x6;
	[tilespmem:v16+s10+$0x0] =	vst.idx.msk $0xffff, v29;
	v29 =	vor.u32 v6, v30;
	v16 =	vadd.s32 s22, v2;
	v30 =	vand.u32 $0x17F8, v54  }
0x38: {  	v54 =	vadd.s32 s28, v2;
	v55 =	vand.u32 $0x7F, v16;
	[tilespmem:v21+s10+$0x0] =	vst.idx.msk $0xffff, v31;
	v21 =	vor.u32 v28, v30  }
0x39: {  	[tilespmem:v25+s10+$0x0] =	vst.idx.msk $0xffff, v14;
	v28 =	vor.u32 v28, v32;
	v31 =	vor.u32 v6, v27;
	v58 =	vand.u32 $0x7, v16  }
0x3a: {  	v15 =	vld.idx.msk [tilespmem:v15+s3+$0x0], $0xffff;
	v30 =	vor.u32 v9, v55;
	v57 =	vor.u32 v0, v55;
	v59 =	vor.u32 v6, v55  }
0x3b: {  	[tilespmem:v22+s10+$0x0] =	vst.idx.msk $0xffff, v26;
	v22 =	vld.idx.msk [tilespmem:v24+s3+$0x0], $0xffff;
	v24 =	vand.u32 $0xFF8, v36;
	v26 =	vor.u32 v7, v27;
	v27 =	vand.u32 $0x1FF8, v56  }
0x3c: {  	v16 =	vor.u32 v5, v55;
	v14 =	vor.u32 v23, v24;
	v25 =	vor.u32 v23, v27;
	v27 =	vld.idx.msk [tilespmem:v53+s3+$0x0], $0xffff  }
0x3d: {  	v60 =	vor.u32 v8, v55;
	v16 =	vand.u32 $0x1FF8, v16;
	v24 =	vand.u32 $0x17F8, v37  }
0x3e: {  	v35 =	vor.u32 v3, v55;
	v16 =	vor.u32 v58, v16;
	v24 =	vor.u32 v23, v24  }
0x3f: {  	s23 =	simm.s32 $0xA;
	[tilespmem:v20+s10+$0x0] =	vst.idx.msk $0xffff, v15;
	v15 =	vand.u32 $0x7F8, v57;
	v20 =	vor.u32 v7, v55;
	v23 =	vor.u32 v4, v55  }
0x40: {  	v36 =	vand.u32 $0x7F, v47;
	v15 =	vor.u32 v58, v15;
	v30 =	vld.idx.msk [tilespmem:v30+s3+$0x0], $0xffff;
	[tilespmem:v21+s10+$0x0] =	vst.idx.msk $0xffff, v22;
	v21 =	vadd.s32 s23, v2  }
0x41: {  	v18 =	vld.idx.msk [tilespmem:v18+s3+$0x0], $0xffff;
	v23 =	vand.u32 $0x17F8, v23;
	v22 =	vand.u32 $0xFF8, v35;
	[tilespmem:v14+s10+$0x0] =	vst.idx.msk $0xffff, v27;
	v14 =	vand.u32 $0x7F, v21  }
0x42: {  	v27 =	vor.u32 v58, v23;
	v23 =	vld.idx.msk [tilespmem:v49+s3+$0x0], $0xffff;
	v21 =	vand.u32 $0x7, v21;
	v22 =	vor.u32 v58, v22  }
0x43: {  	v29 =	vld.idx.msk [tilespmem:v29+s3+$0x0], $0xffff;
	v61 =	vor.u32 v9, v14;
	v63 =	vor.u32 v6, v14;
	v45 =	vor.u32 v5, v14  }
0x44: {  	v26 =	vld.idx.msk [tilespmem:v26+s3+$0x0], $0xffff;
	v38 =	vor.u32 v4, v14;
	v40 =	vor.u32 v8, v14;
	v41 =	vor.u32 v3, v14  }
0x45: {  	s18 =	simm.s32 $0x3;
	[tilespmem:v15+s10+$0x0] =	vst.idx.msk $0xffff, v30;
	v15 =	vand.u32 $0x7F, v62;
	v30 =	vor.u32 v7, v14;
	v14 =	vor.u32 v0, v14  }
0x46: {  	[tilespmem:v17+s10+$0x0] =	vst.idx.msk $0xffff, v18;
	v18 =	vand.u32 $0x17F8, v38;
	v46 =	vand.u32 $0x1FF8, v45;
	v38 =	vadd.s32 s18, v2  }
0x47: {  	v39 =	vor.u32 v9, v15;
	v17 =	vld.idx.msk [tilespmem:v60+s3+$0x0], $0xffff;
	v18 =	vor.u32 v21, v18;
	v48 =	vor.u32 v8, v15  }
0x48: {  	v14 =	vand.u32 $0x7F8, v14;
	v49 =	vor.u32 v7, v15;
	v50 =	vor.u32 v4, v15;
	[tilespmem:v19+s10+$0x0] =	vst.idx.msk $0xffff, v23  }
0x49: {  	s29 =	simm.s32 $0x5;
	v14 =	vor.u32 v21, v14;
	v19 =	vand.u32 $0xFF8, v41;
	v23 =	vor.u32 v21, v46;
	[tilespmem:v28+s10+$0x0] =	vst.idx.msk $0xffff, v29  }
0x4a: {  	v29 =	vand.u32 $0x7, v62;
	v62 =	vadd.s32 s29, v2;
	v33 =	vld.idx.msk [tilespmem:v61+s3+$0x0], $0xffff;
	[tilespmem:v24+s10+$0x0] =	vst.idx.msk $0xffff, v26;
	v24 =	vand.u32 $0x78, v47  }
0x4b: {  	v26 =	vor.u32 v0, v15;
	v19 =	vor.u32 v21, v19;
	v21 =	vld.idx.msk [tilespmem:v31+s3+$0x0], $0xffff;
	v28 =	vor.u32 v24, v10  }
0x4c: {  	v26 =	vand.u32 $0x7F8, v26;
	v31 =	vor.u32 v5, v15;
	v42 =	vor.u32 v24, v13  }
0x4d: {  	v53 =	vor.u32 v24, v12;
	[tilespmem:v22+s10+$0x0] =	vst.idx.msk $0xffff, v17;
	v17 =	vor.u32 v29, v26;
	v26 =	vld.idx.msk [tilespmem:v39+s3+$0x0], $0xffff  }
0x4e: {  	v22 =	vor.u32 v6, v15;
	v15 =	vor.u32 v3, v15;
	v51 =	vld.idx.msk [tilespmem:v20+s3+$0x0], $0xffff;
	v20 =	vand.u32 $0x1FF8, v31  }
0x4f: {  	v15 =	vand.u32 $0xFF8, v15;
	v20 =	vor.u32 v29, v20;
	[tilespmem:v14+s10+$0x0] =	vst.idx.msk $0xffff, v33;
	v14 =	vor.u32 v0, v36  }
0x50: {  	v31 =	vand.u32 $0x17F8, v50;
	v15 =	vor.u32 v29, v15;
	v33 =	vld.idx.msk [tilespmem:v40+s3+$0x0], $0xffff;
	[tilespmem:v25+s10+$0x0] =	vst.idx.msk $0xffff, v21;
	v14 =	vand.u32 $0x7F8, v14  }
0x51: {  	v21 =	vor.u32 v29, v31;
	v25 =	vld.idx.msk [tilespmem:v28+s3+$0x0], $0xffff;
	v28 =	vor.u32 v5, v36;
	v14 =	vor.u32 v1, v14  }
0x52: {  	s26 =	simm.s32 $0x7;
	v39 =	vand.u32 $0x7, v54;
	v29 =	vor.u32 v4, v36;
	[tilespmem:v17+s10+$0x0] =	vst.idx.msk $0xffff, v26;
	v26 =	vor.u32 v24, v11  }
0x53: {  	v36 =	vor.u32 v3, v36;
	v17 =	vadd.s32 s26, v2;
	v24 =	vand.u32 $0x1FF8, v28  }
0x54: {  	v29 =	vand.u32 $0x17F8, v29;
	v31 =	vand.u32 $0x7F, v17;
	[tilespmem:v27+s10+$0x0] =	vst.idx.msk $0xffff, v51;
	v27 =	vld.idx.msk [tilespmem:v48+s3+$0x0], $0xffff;
	v24 =	vor.u32 v1, v24  }
0x55: {  	v43 =	vor.u32 v1, v29;
	v52 =	vor.u32 v9, v31;
	[tilespmem:v19+s10+$0x0] =	vst.idx.msk $0xffff, v33;
	v19 =	vand.u32 $0x7F, v54  }
0x56: {  	v17 =	vand.u32 $0x7, v17;
	[tilespmem:v14+s10+$0x0] =	vst.idx.msk $0xffff, v25;
	v14 =	vand.u32 $0xFF8, v36;
	v25 =	vld.idx.msk [tilespmem:v30+s3+$0x0], $0xffff;
	v28 =	vor.u32 v9, v19  }
0x57: {  	v55 =	vor.u32 v5, v31;
	v29 =	vor.u32 v7, v31;
	v30 =	vor.u32 v1, v14;
	v26 =	vld.idx.msk [tilespmem:v26+s3+$0x0], $0xffff  }
0x58: {  	v32 =	vld.idx.msk [tilespmem:v59+s3+$0x0], $0xffff;
	v33 =	vand.u32 $0x1FF8, v55;
	v57 =	vor.u32 v0, v19;
	v14 =	vor.u32 v0, v31  }
0x59: {  	[tilespmem:v15+s10+$0x0] =	vst.idx.msk $0xffff, v27;
	v27 =	vor.u32 v4, v31;
	v15 =	vor.u32 v6, v31;
	v14 =	vand.u32 $0x7F8, v14  }
0x5a: {  	v34 =	vld.idx.msk [tilespmem:v52+s3+$0x0], $0xffff;
	v56 =	vor.u32 v17, v14;
	v14 =	vor.u32 v3, v31;
	v31 =	vor.u32 v8, v31  }
0x5b: {  	v58 =	vld.idx.msk [tilespmem:v28+s3+$0x0], $0xffff;
	v28 =	vand.u32 $0x7F8, v57;
	[tilespmem:v18+s10+$0x0] =	vst.idx.msk $0xffff, v25;
	v25 =	vand.u32 $0xFF8, v14;
	v14 =	vor.u32 v17, v33  }
0x5c: {  	v27 =	vand.u32 $0x17F8, v27;
	v33 =	vor.u32 v7, v19;
	v18 =	vor.u32 v39, v28;
	[tilespmem:v30+s10+$0x0] =	vst.idx.msk $0xffff, v26  }
0x5d: {  	v30 =	vor.u32 v8, v19;
	v44 =	vor.u32 v17, v25;
	v28 =	vor.u32 v17, v27  }
0x5e: {  	v26 =	vld.idx.msk [tilespmem:v49+s3+$0x0], $0xffff;
	v17 =	vor.u32 v6, v19;
	v25 =	vor.u32 v5, v19;
	v27 =	vor.u32 v3, v19  }
0x5f: {  	[tilespmem:v16+s10+$0x0] =	vst.idx.msk $0xffff, v32;
	v59 =	vld.idx.msk [tilespmem:v63+s3+$0x0], $0xffff;
	v19 =	vor.u32 v4, v19;
	v63 =	vand.u32 $0x7F, v62;
	v27 =	vand.u32 $0xFF8, v27  }
0x60: {  	v60 =	vld.idx.msk [tilespmem:v53+s3+$0x0], $0xffff;
	v19 =	vand.u32 $0x17F8, v19;
	v61 =	vand.u32 $0x1FF8, v25;
	v32 =	vor.u32 v3, v63;
	[tilespmem:v56+s10+$0x0] =	vst.idx.msk $0xffff, v34  }
0x61: {  	v41 =	vor.u32 v9, v63;
	v37 =	vor.u32 v0, v63;
	v31 =	vld.idx.msk [tilespmem:v31+s3+$0x0], $0xffff;
	[tilespmem:v18+s10+$0x0] =	vst.idx.msk $0xffff, v58  }
0x62: {  	s30 =	simm.s32 $0x4;
	v25 =	vor.u32 v39, v19;
	v16 =	vor.u32 v39, v61;
	v36 =	vor.u32 v39, v27;
	v39 =	vld.idx.msk [tilespmem:v30+s3+$0x0], $0xffff  }
0x63: {  	s31 =	simm.s32 $0x2;
	v40 =	vadd.s32 s30, v2;
	v19 =	vor.u32 v6, v63;
	v27 =	vor.u32 v7, v63;
	[tilespmem:v21+s10+$0x0] =	vst.idx.msk $0xffff, v26  }
0x64: {  	v34 =	vadd.s32 s31, v2;
	v26 =	vor.u32 v4, v63;
	v21 =	vor.u32 v5, v63;
	[tilespmem:v23+s10+$0x0] =	vst.idx.msk $0xffff, v59  }
0x65: {  	v18 =	vand.u32 $0x7, v62;
	v30 =	vor.u32 v8, v63;
	[tilespmem:v43+s10+$0x0] =	vst.idx.msk $0xffff, v60;
	v35 =	vld.idx.msk [tilespmem:v22+s3+$0x0], $0xffff;
	v22 =	vand.u32 $0x7F, v40  }
0x66: {  	s17 =	simm.s32 $0x10;
	s18 =	simm.s32 $0x1;
	v23 =	vand.u32 $0x7F, v38;
	v43 =	vand.u32 $0x7F8, v37;
	v37 =	vld.idx.msk [tilespmem:v42+s3+$0x0], $0xffff;
	v42 =	vor.u32 v9, v22;
	[tilespmem:v44+s10+$0x0] =	vst.idx.msk $0xffff, v31  }
.LBB2_3:
0x67: {  	p0 =	slt.u32 s17, $0x70;
	v44 =	vadd.s32 s18, v2;
	v31 =	vand.u32 $0x7F, v34;
	v45 =	vor.u32 v9, v23;
	[tilespmem:v36+s10+$0x0] =	vst.idx.msk $0xffff, v39;
	v36 =	vld.idx.msk [tilespmem:v29+s3+$0x0], $0xffff  }
0x68: {  	v43 =	vor.u32 v18, v43;
	v29 =	vand.u32 $0x7F, v44;
	v39 =	vor.u32 v9, v31;
	v33 =	vld.idx.msk [tilespmem:v33+s3+$0x0], $0xffff  }
0x69: {  	v47 =	vor.u32 v0, v22;
	v40 =	vand.u32 $0x7, v40;
	v46 =	vor.u32 v9, v29;
	v41 =	vld.idx.msk [tilespmem:v41+s3+$0x0], $0xffff  }
0x6a: {  	v48 =	vor.u32 v0, v23;
	v49 =	vor.u32 v8, v22;
	v47 =	vand.u32 $0x7F8, v47;
	[tilespmem:v20+s10+$0x0] =	vst.idx.msk $0xffff, v35  }
0x6b: {  	v20 =	vand.u32 $0x7F8, v48;
	v35 =	vand.u32 $0x7, v38;
	v38 =	vld.idx.msk [tilespmem:v42+s3+$0x0], $0xffff;
	v42 =	vor.u32 v40, v47;
	[tilespmem:v24+s10+$0x0] =	vst.idx.msk $0xffff, v37  }
0x6c: {  	v24 =	vor.u32 v0, v31;
	v20 =	vor.u32 v35, v20;
	v37 =	vld.idx.msk [tilespmem:v45+s3+$0x0], $0xffff;
	v45 =	vor.u32 v8, v23  }
0x6d: {  	v34 =	vand.u32 $0x7, v34;
	v47 =	vor.u32 v0, v29;
	v24 =	vand.u32 $0x7F8, v24;
	v39 =	vld.idx.msk [tilespmem:v39+s3+$0x0], $0xffff;
	[tilespmem:v28+s10+$0x0] =	vst.idx.msk $0xffff, v36  }
0x6e: {  	v44 =	vand.u32 $0x7, v44;
	v36 =	vand.u32 $0x7F8, v47;
	v24 =	vor.u32 v34, v24;
	v28 =	vld.idx.msk [tilespmem:v46+s3+$0x0], $0xffff;
	[tilespmem:v25+s10+$0x0] =	vst.idx.msk $0xffff, v33  }
0x6f: {  	v32 =	vand.u32 $0xFF8, v32;
	v25 =	vor.u32 v44, v36;
	v33 =	vor.u32 v8, v31;
	[tilespmem:v43+s10+$0x0] =	vst.idx.msk $0xffff, v41  }
0x70: {  	v32 =	vor.u32 v18, v32;
	v36 =	vor.u32 v8, v29;
	v41 =	vor.u32 v3, v22;
	v30 =	vld.idx.msk [tilespmem:v30+s3+$0x0], $0xffff  }
0x71: {  	v43 =	vor.u32 v3, v23;
	[tilespmem:v42+s10+$0x0] =	vst.idx.msk $0xffff, v38;
	v38 =	vand.u32 $0xFF8, v41;
	v41 =	vor.u32 v7, v22  }
0x72: {  	[tilespmem:v20+s10+$0x0] =	vst.idx.msk $0xffff, v37;
	v20 =	vand.u32 $0xFF8, v43;
	v37 =	vld.idx.msk [tilespmem:v49+s3+$0x0], $0xffff;
	v38 =	vor.u32 v40, v38  }
0x73: {  	[tilespmem:v24+s10+$0x0] =	vst.idx.msk $0xffff, v39;
	v24 =	vor.u32 v3, v31;
	v39 =	vld.idx.msk [tilespmem:v45+s3+$0x0], $0xffff;
	v20 =	vor.u32 v35, v20  }
0x74: {  	[tilespmem:v25+s10+$0x0] =	vst.idx.msk $0xffff, v28;
	v25 =	vor.u32 v3, v29;
	v28 =	vld.idx.msk [tilespmem:v33+s3+$0x0], $0xffff;
	v24 =	vand.u32 $0xFF8, v24  }
0x75: {  	v33 =	vld.idx.msk [tilespmem:v36+s3+$0x0], $0xffff;
	v25 =	vand.u32 $0xFF8, v25;
	v24 =	vor.u32 v34, v24;
	v36 =	vor.u32 v7, v23  }
0x76: {  	v26 =	vand.u32 $0x17F8, v26;
	v42 =	vor.u32 v7, v31;
	v25 =	vor.u32 v44, v25;
	[tilespmem:v32+s10+$0x0] =	vst.idx.msk $0xffff, v30  }
0x77: {  	v26 =	vor.u32 v18, v26;
	v30 =	vor.u32 v7, v29;
	v32 =	vor.u32 v4, v22;
	v27 =	vld.idx.msk [tilespmem:v27+s3+$0x0], $0xffff  }
0x78: {  	v43 =	vor.u32 v4, v23;
	v32 =	vand.u32 $0x17F8, v32;
	[tilespmem:v38+s10+$0x0] =	vst.idx.msk $0xffff, v37;
	v37 =	vor.u32 v6, v22  }
0x79: {  	v32 =	vor.u32 v40, v32;
	[tilespmem:v20+s10+$0x0] =	vst.idx.msk $0xffff, v39;
	v20 =	vand.u32 $0x17F8, v43;
	v38 =	vld.idx.msk [tilespmem:v41+s3+$0x0], $0xffff  }
0x7a: {  	[tilespmem:v24+s10+$0x0] =	vst.idx.msk $0xffff, v28;
	v24 =	vor.u32 v4, v31;
	v28 =	vld.idx.msk [tilespmem:v36+s3+$0x0], $0xffff;
	v20 =	vor.u32 v35, v20  }
0x7b: {  	v21 =	vand.u32 $0x1FF8, v21;
	[tilespmem:v25+s10+$0x0] =	vst.idx.msk $0xffff, v33;
	v25 =	vor.u32 v4, v29;
	v33 =	vld.idx.msk [tilespmem:v42+s3+$0x0], $0xffff;
	v24 =	vand.u32 $0x17F8, v24  }
0x7c: {  	v36 =	vor.u32 v6, v23;
	v30 =	vld.idx.msk [tilespmem:v30+s3+$0x0], $0xffff;
	v25 =	vand.u32 $0x17F8, v25;
	v24 =	vor.u32 v34, v24  }
0x7d: {  	v18 =	vor.u32 v18, v21;
	v39 =	vor.u32 v6, v31;
	v25 =	vor.u32 v44, v25;
	v15 =	vld.idx.msk [tilespmem:v15+s3+$0x0], $0xffff  }
0x7e: {  	v21 =	vor.u32 v6, v29;
	v22 =	vor.u32 v5, v22;
	[tilespmem:v26+s10+$0x0] =	vst.idx.msk $0xffff, v27;
	v17 =	vld.idx.msk [tilespmem:v17+s3+$0x0], $0xffff  }
0x7f: {  	v22 =	vand.u32 $0x1FF8, v22;
	v23 =	vor.u32 v5, v23;
	[tilespmem:v32+s10+$0x0] =	vst.idx.msk $0xffff, v38;
	v19 =	vld.idx.msk [tilespmem:v19+s3+$0x0], $0xffff  }
0x80: {  	v22 =	vor.u32 v40, v22;
	[tilespmem:v20+s10+$0x0] =	vst.idx.msk $0xffff, v28;
	v20 =	vand.u32 $0x1FF8, v23;
	v23 =	vld.idx.msk [tilespmem:v37+s3+$0x0], $0xffff  }
0x81: {  	[tilespmem:v24+s10+$0x0] =	vst.idx.msk $0xffff, v33;
	v24 =	vor.u32 v5, v31;
	v26 =	vld.idx.msk [tilespmem:v36+s3+$0x0], $0xffff;
	v20 =	vor.u32 v35, v20  }
0x82: {  	v27 =	vadd.s32 s17, v2;
	[tilespmem:v25+s10+$0x0] =	vst.idx.msk $0xffff, v30;
	v25 =	vor.u32 v5, v29;
	v28 =	vld.idx.msk [tilespmem:v39+s3+$0x0], $0xffff;
	v24 =	vand.u32 $0x1FF8, v24  }
0x83: {  	v29 =	vand.u32 $0x78, v27;
	v21 =	vld.idx.msk [tilespmem:v21+s3+$0x0], $0xffff;
	v25 =	vand.u32 $0x1FF8, v25;
	v24 =	vor.u32 v34, v24;
	[tilespmem:v14+s10+$0x0] =	vst.idx.msk $0xffff, v15  }
0x84: {  	v14 =	vor.u32 v29, v10;
	v15 =	vor.u32 v44, v25;
	[tilespmem:v16+s10+$0x0] =	vst.idx.msk $0xffff, v17  }
0x85: {  	s18 =	sadd.s32 $0xF, s17;
	[tilespmem:v18+s10+$0x0] =	vst.idx.msk $0xffff, v19  }
0x86: {  	v16 =	vadd.s32 s18, v2;
	[tilespmem:v22+s10+$0x0] =	vst.idx.msk $0xffff, v23  }
0x87: {  	v17 =	vand.u32 $0x7F, v27;
	v18 =	vand.u32 $0x7F, v16;
	[tilespmem:v20+s10+$0x0] =	vst.idx.msk $0xffff, v26  }
0x88: {  	v19 =	vor.u32 v0, v17;
	v20 =	vor.u32 v9, v18;
	[tilespmem:v24+s10+$0x0] =	vst.idx.msk $0xffff, v28  }
0x89: {  	v19 =	vand.u32 $0x7F8, v19;
	v14 =	vld.idx.msk [tilespmem:v14+s3+$0x0], $0xffff;
	[tilespmem:v15+s10+$0x0] =	vst.idx.msk $0xffff, v21  }
0x8a: {  	v15 =	vor.u32 v1, v19  }
0x8b: {  	v19 =	vor.u32 v29, v11  }
0x8c: {  	v21 =	vor.u32 v0, v18  }
0x8d: {  	v16 =	vand.u32 $0x7, v16;
	v21 =	vand.u32 $0x7F8, v21;
	v20 =	vld.idx.msk [tilespmem:v20+s3+$0x0], $0xffff  }
0x8e: {  	s18 =	sadd.s32 $0xE, s17;
	v21 =	vor.u32 v16, v21  }
0x8f: {  	v22 =	vor.u32 v8, v18;
	[tilespmem:v15+s10+$0x0] =	vst.idx.msk $0xffff, v14;
	v14 =	vor.u32 v3, v17;
	v15 =	vadd.s32 s18, v2  }
0x90: {  	v19 =	vld.idx.msk [tilespmem:v19+s3+$0x0], $0xffff;
	v14 =	vand.u32 $0xFF8, v14;
	v23 =	vand.u32 $0x7F, v15  }
0x91: {  	v14 =	vor.u32 v1, v14;
	v24 =	vor.u32 v9, v23  }
0x92: {  	v25 =	vor.u32 v29, v12;
	v26 =	vor.u32 v5, v17;
	s18 =	sadd.s32 $0xD, s17  }
0x93: {  	v27 =	vor.u32 v29, v13;
	v28 =	vadd.s32 s18, v2;
	[tilespmem:v21+s10+$0x0] =	vst.idx.msk $0xffff, v20;
	v20 =	vor.u32 v3, v18  }
0x94: {  	v17 =	vor.u32 v4, v17;
	v21 =	vand.u32 $0x7F, v28;
	v22 =	vld.idx.msk [tilespmem:v22+s3+$0x0], $0xffff;
	v20 =	vand.u32 $0xFF8, v20  }
0x95: {  	v30 =	vor.u32 v0, v23;
	v29 =	vor.u32 v9, v21;
	v20 =	vor.u32 v16, v20  }
0x96: {  	v15 =	vand.u32 $0x7, v15;
	[tilespmem:v14+s10+$0x0] =	vst.idx.msk $0xffff, v19;
	v14 =	vld.idx.msk [tilespmem:v24+s3+$0x0], $0xffff;
	v19 =	vand.u32 $0x7F8, v30;
	v24 =	vor.u32 v7, v18  }
0x97: {  	v26 =	vand.u32 $0x1FF8, v26;
	v17 =	vand.u32 $0x17F8, v17;
	v25 =	vld.idx.msk [tilespmem:v25+s3+$0x0], $0xffff;
	v19 =	vor.u32 v15, v19  }
0x98: {  	v26 =	vor.u32 v1, v26;
	v17 =	vor.u32 v1, v17;
	v30 =	vor.u32 v8, v23  }
0x99: {  	v32 =	vor.u32 v4, v18;
	v33 =	vor.u32 v5, v18;
	v31 =	vor.u32 v0, v21  }
0x9a: {  	v28 =	vand.u32 $0x7, v28;
	v31 =	vand.u32 $0x7F8, v31;
	v29 =	vld.idx.msk [tilespmem:v29+s3+$0x0], $0xffff;
	[tilespmem:v20+s10+$0x0] =	vst.idx.msk $0xffff, v22;
	v20 =	vand.u32 $0x17F8, v32  }
0x9b: {  	s18 =	sadd.s32 $0xC, s17;
	v18 =	vor.u32 v6, v18;
	v22 =	vor.u32 v28, v31;
	v24 =	vld.idx.msk [tilespmem:v24+s3+$0x0], $0xffff;
	v20 =	vor.u32 v16, v20  }
0x9c: {  	v31 =	vadd.s32 s18, v2;
	v32 =	vor.u32 v8, v21;
	[tilespmem:v19+s10+$0x0] =	vst.idx.msk $0xffff, v14;
	v14 =	vor.u32 v3, v23  }
0x9d: {  	[tilespmem:v17+s10+$0x0] =	vst.idx.msk $0xffff, v25;
	v17 =	vand.u32 $0x7F, v31;
	v19 =	vld.idx.msk [tilespmem:v30+s3+$0x0], $0xffff;
	v14 =	vand.u32 $0xFF8, v14;
	v25 =	vand.u32 $0x1FF8, v33  }
0x9e: {  	v30 =	vor.u32 v9, v17;
	v14 =	vor.u32 v15, v14;
	v16 =	vor.u32 v16, v25  }
0x9f: {  	v34 =	vor.u32 v5, v23;
	v33 =	vor.u32 v6, v23;
	v25 =	vor.u32 v4, v23  }
0xa0: {  	v23 =	vor.u32 v7, v23;
	[tilespmem:v22+s10+$0x0] =	vst.idx.msk $0xffff, v29;
	v22 =	vor.u32 v3, v21  }
0xa1: {  	v25 =	vand.u32 $0x17F8, v25;
	v29 =	vld.idx.msk [tilespmem:v32+s3+$0x0], $0xffff;
	v22 =	vand.u32 $0xFF8, v22;
	v32 =	vand.u32 $0x1FF8, v34;
	[tilespmem:v20+s10+$0x0] =	vst.idx.msk $0xffff, v24  }
0xa2: {  	v20 =	vor.u32 v0, v17;
	v22 =	vor.u32 v28, v22;
	v24 =	vor.u32 v15, v32  }
0xa3: {  	v31 =	vand.u32 $0x7, v31;
	v20 =	vand.u32 $0x7F8, v20;
	v30 =	vld.idx.msk [tilespmem:v30+s3+$0x0], $0xffff;
	[tilespmem:v14+s10+$0x0] =	vst.idx.msk $0xffff, v19;
	v14 =	vor.u32 v15, v25  }
0xa4: {  	v19 =	vor.u32 v31, v20;
	v20 =	vor.u32 v7, v21;
	v25 =	vor.u32 v5, v21;
	v15 =	vld.idx.msk [tilespmem:v27+s3+$0x0], $0xffff  }
0xa5: {  	s18 =	sadd.s32 $0xB, s17;
	v32 =	vor.u32 v4, v21;
	v21 =	vor.u32 v6, v21;
	v27 =	vor.u32 v8, v17;
	v18 =	vld.idx.msk [tilespmem:v18+s3+$0x0], $0xffff  }
0xa6: {  	v34 =	vadd.s32 s18, v2;
	v32 =	vand.u32 $0x17F8, v32;
	v25 =	vand.u32 $0x1FF8, v25;
	v23 =	vld.idx.msk [tilespmem:v23+s3+$0x0], $0xffff  }
0xa7: {  	v35 =	vand.u32 $0x7F, v34;
	v25 =	vor.u32 v28, v25;
	[tilespmem:v22+s10+$0x0] =	vst.idx.msk $0xffff, v29;
	v22 =	vor.u32 v28, v32  }
0xa8: {  	v28 =	vor.u32 v9, v35;
	v29 =	vor.u32 v6, v17;
	v32 =	vor.u32 v5, v17  }
0xa9: {  	[tilespmem:v19+s10+$0x0] =	vst.idx.msk $0xffff, v30;
	v19 =	vor.u32 v3, v17;
	v30 =	vor.u32 v4, v17;
	v20 =	vld.idx.msk [tilespmem:v20+s3+$0x0], $0xffff  }
0xaa: {  	v17 =	vor.u32 v7, v17;
	[tilespmem:v26+s10+$0x0] =	vst.idx.msk $0xffff, v15;
	v15 =	vld.idx.msk [tilespmem:v27+s3+$0x0], $0xffff;
	v19 =	vand.u32 $0xFF8, v19;
	v26 =	vand.u32 $0x1FF8, v32  }
0xab: {  	v27 =	vand.u32 $0x17F8, v30;
	v19 =	vor.u32 v31, v19;
	v26 =	vor.u32 v31, v26;
	[tilespmem:v16+s10+$0x0] =	vst.idx.msk $0xffff, v18  }
0xac: {  	v16 =	vor.u32 v0, v35;
	v18 =	vand.u32 $0x7, v34;
	v27 =	vor.u32 v31, v27;
	[tilespmem:v14+s10+$0x0] =	vst.idx.msk $0xffff, v23  }
0xad: {  	v16 =	vand.u32 $0x7F8, v16;
	v14 =	vor.u32 v6, v35;
	v23 =	vld.idx.msk [tilespmem:v28+s3+$0x0], $0xffff;
	v28 =	vor.u32 v5, v35  }
0xae: {  	v31 =	vor.u32 v7, v35;
	v30 =	vor.u32 v18, v16;
	v16 =	vor.u32 v4, v35  }
0xaf: {  	s18 =	sadd.s32 $0xA, s17;
	v32 =	vor.u32 v8, v35;
	v34 =	vor.u32 v3, v35;
	v28 =	vand.u32 $0x1FF8, v28;
	[tilespmem:v22+s10+$0x0] =	vst.idx.msk $0xffff, v20  }
0xb0: {  	v16 =	vand.u32 $0x17F8, v16;
	v20 =	vadd.s32 s18, v2;
	v22 =	vand.u32 $0xFF8, v34;
	[tilespmem:v19+s10+$0x0] =	vst.idx.msk $0xffff, v15;
	v15 =	vld.idx.msk [tilespmem:v33+s3+$0x0], $0xffff  }
0xb1: {  	v19 =	vand.u32 $0x7F, v20;
	v33 =	vor.u32 v18, v16;
	v16 =	vor.u32 v18, v28;
	v17 =	vld.idx.msk [tilespmem:v17+s3+$0x0], $0xffff  }
0xb2: {  	s18 =	sadd.s32 $0x9, s17;
	v20 =	vand.u32 $0x7, v20;
	v22 =	vor.u32 v18, v22;
	v28 =	vor.u32 v9, v19;
	v21 =	vld.idx.msk [tilespmem:v21+s3+$0x0], $0xffff  }
0xb3: {  	v34 =	vadd.s32 s18, v2;
	v18 =	vor.u32 v6, v19;
	v35 =	vor.u32 v5, v19;
	[tilespmem:v30+s10+$0x0] =	vst.idx.msk $0xffff, v23  }
0xb4: {  	v36 =	vor.u32 v7, v19;
	v30 =	vand.u32 $0x7F, v34;
	v23 =	vor.u32 v4, v19;
	v32 =	vld.idx.msk [tilespmem:v32+s3+$0x0], $0xffff  }
0xb5: {  	v38 =	vor.u32 v8, v19;
	v39 =	vor.u32 v3, v19;
	v37 =	vor.u32 v9, v30  }
0xb6: {  	v19 =	vor.u32 v0, v19;
	v40 =	vand.u32 $0x17F8, v23;
	v23 =	vand.u32 $0x1FF8, v35;
	[tilespmem:v24+s10+$0x0] =	vst.idx.msk $0xffff, v15  }
0xb7: {  	s18 =	sadd.s32 $0x8, s17;
	v19 =	vand.u32 $0x7F8, v19;
	v23 =	vor.u32 v20, v23;
	v24 =	vand.u32 $0xFF8, v39;
	v15 =	vld.idx.msk [tilespmem:v28+s3+$0x0], $0xffff;
	[tilespmem:v27+s10+$0x0] =	vst.idx.msk $0xffff, v17  }
0xb8: {  	v19 =	vor.u32 v20, v19;
	v17 =	vadd.s32 s18, v2;
	v27 =	vor.u32 v20, v40;
	v28 =	vld.idx.msk [tilespmem:v29+s3+$0x0], $0xffff  }
0xb9: {  	v35 =	vor.u32 v0, v30;
	v24 =	vor.u32 v20, v24;
	v29 =	vand.u32 $0x78, v17;
	[tilespmem:v25+s10+$0x0] =	vst.idx.msk $0xffff, v21  }
0xba: {  	v34 =	vand.u32 $0x7, v34;
	v20 =	vor.u32 v29, v10;
	v25 =	vand.u32 $0x7F8, v35;
	v21 =	vld.idx.msk [tilespmem:v37+s3+$0x0], $0xffff;
	[tilespmem:v22+s10+$0x0] =	vst.idx.msk $0xffff, v32  }
0xbb: {  	v25 =	vor.u32 v34, v25;
	v22 =	vor.u32 v6, v30;
	v32 =	vor.u32 v5, v30  }
0xbc: {  	v39 =	vor.u32 v4, v30;
	v35 =	vor.u32 v8, v30;
	v37 =	vor.u32 v7, v30;
	v31 =	vld.idx.msk [tilespmem:v31+s3+$0x0], $0xffff  }
0xbd: {  	v17 =	vand.u32 $0x7F, v17;
	v30 =	vor.u32 v3, v30;
	v32 =	vand.u32 $0x1FF8, v32;
	[tilespmem:v19+s10+$0x0] =	vst.idx.msk $0xffff, v15  }
0xbe: {  	v15 =	vor.u32 v0, v17;
	v19 =	vand.u32 $0xFF8, v30;
	v30 =	vand.u32 $0x17F8, v39;
	v38 =	vld.idx.msk [tilespmem:v38+s3+$0x0], $0xffff;
	[tilespmem:v26+s10+$0x0] =	vst.idx.msk $0xffff, v28  }
0xbf: {  	v15 =	vand.u32 $0x7F8, v15;
	v30 =	vor.u32 v34, v30;
	v26 =	vld.idx.msk [tilespmem:v20+s3+$0x0], $0xffff;
	v20 =	vor.u32 v34, v32  }
0xc0: {  	s18 =	sadd.s32 $0x7, s17;
	v19 =	vor.u32 v34, v19;
	v15 =	vor.u32 v1, v15;
	[tilespmem:v25+s10+$0x0] =	vst.idx.msk $0xffff, v21  }
0xc1: {  	v28 =	vor.u32 v5, v17;
	v21 =	vadd.s32 s18, v2;
	v25 =	vor.u32 v29, v11;
	v32 =	vld.idx.msk [tilespmem:v35+s3+$0x0], $0xffff  }
0xc2: {  	v42 =	vor.u32 v29, v13;
	v34 =	vand.u32 $0x7F, v21;
	v35 =	vor.u32 v4, v17;
	[tilespmem:v33+s10+$0x0] =	vst.idx.msk $0xffff, v31  }
0xc3: {  	v39 =	vor.u32 v29, v12;
	s18 =	sadd.s32 $0x6, s17;
	v17 =	vor.u32 v3, v17;
	v31 =	vor.u32 v9, v34  }
0xc4: {  	v28 =	vand.u32 $0x1FF8, v28;
	v33 =	vadd.s32 s18, v2;
	v29 =	vand.u32 $0x17F8, v35;
	[tilespmem:v24+s10+$0x0] =	vst.idx.msk $0xffff, v38  }
0xc5: {  	v35 =	vand.u32 $0x7F, v33;
	v24 =	vor.u32 v1, v28;
	[tilespmem:v15+s10+$0x0] =	vst.idx.msk $0xffff, v26;
	v15 =	vand.u32 $0xFF8, v17;
	v17 =	vld.idx.msk [tilespmem:v36+s3+$0x0], $0xffff  }
0xc6: {  	v38 =	vor.u32 v1, v29;
	v26 =	vor.u32 v9, v35;
	v25 =	vld.idx.msk [tilespmem:v25+s3+$0x0], $0xffff;
	v28 =	vor.u32 v1, v15  }
0xc7: {  	v21 =	vand.u32 $0x7, v21;
	v36 =	vor.u32 v5, v34;
	v15 =	vor.u32 v0, v34;
	[tilespmem:v19+s10+$0x0] =	vst.idx.msk $0xffff, v32  }
0xc8: {  	v29 =	vand.u32 $0x7F8, v15;
	v15 =	vor.u32 v6, v34;
	v19 =	vld.idx.msk [tilespmem:v31+s3+$0x0], $0xffff;
	v31 =	vor.u32 v4, v34  }
0xc9: {  	v40 =	vor.u32 v3, v34;
	v32 =	vor.u32 v21, v29;
	v29 =	vor.u32 v7, v34;
	v41 =	vld.idx.msk [tilespmem:v14+s3+$0x0], $0xffff  }
0xca: {  	v36 =	vand.u32 $0x1FF8, v36;
	v34 =	vor.u32 v8, v34;
	v14 =	vor.u32 v0, v35;
	v37 =	vld.idx.msk [tilespmem:v37+s3+$0x0], $0xffff  }
0xcb: {  	v43 =	vand.u32 $0x7, v33;
	v31 =	vand.u32 $0x17F8, v31;
	v14 =	vand.u32 $0x7F8, v14;
	v26 =	vld.idx.msk [tilespmem:v26+s3+$0x0], $0xffff;
	[tilespmem:v27+s10+$0x0] =	vst.idx.msk $0xffff, v17  }
0xcc: {  	v27 =	vor.u32 v43, v14;
	v17 =	vand.u32 $0xFF8, v40;
	v14 =	vor.u32 v21, v36;
	[tilespmem:v28+s10+$0x0] =	vst.idx.msk $0xffff, v25  }
0xcd: {  	v36 =	vor.u32 v8, v35;
	v44 =	vor.u32 v21, v17;
	v28 =	vor.u32 v21, v31  }
0xce: {  	v17 =	vor.u32 v6, v35;
	v21 =	vor.u32 v5, v35;
	[tilespmem:v32+s10+$0x0] =	vst.idx.msk $0xffff, v19;
	v31 =	vld.idx.msk [tilespmem:v18+s3+$0x0], $0xffff  }
0xcf: {  	v33 =	vor.u32 v7, v35;
	v18 =	vor.u32 v3, v35;
	v19 =	vor.u32 v4, v35;
	v45 =	vld.idx.msk [tilespmem:v39+s3+$0x0], $0xffff  }
0xd0: {  	s18 =	sadd.s32 $0x5, s17;
	v32 =	vand.u32 $0xFF8, v18;
	v18 =	vand.u32 $0x17F8, v19;
	v19 =	vand.u32 $0x1FF8, v21;
	v46 =	vld.idx.msk [tilespmem:v34+s3+$0x0], $0xffff;
	[tilespmem:v16+s10+$0x0] =	vst.idx.msk $0xffff, v41  }
0xd1: {  	v21 =	vadd.s32 s18, v2;
	v25 =	vor.u32 v43, v18;
	v16 =	vor.u32 v43, v19;
	[tilespmem:v27+s10+$0x0] =	vst.idx.msk $0xffff, v26  }
0xd2: {  	v34 =	vand.u32 $0x7F, v21;
	v18 =	vand.u32 $0x7, v21;
	v39 =	vld.idx.msk [tilespmem:v36+s3+$0x0], $0xffff;
	v36 =	vor.u32 v43, v32;
	[tilespmem:v30+s10+$0x0] =	vst.idx.msk $0xffff, v37  }
.Ltmp0:
0xd3: {  	v26 =	vor.u32 v4, v34;
	v19 =	vor.u32 v6, v34;
	v21 =	vor.u32 v5, v34;
	(pc) =	sbr.rel @p0 .LBB2_3-.Ltmp0, $4  }
0xd4: {  	s18 =	sadd.s32 $0x4, s17;
	v27 =	vor.u32 v7, v34;
	v30 =	vor.u32 v8, v34;
	v32 =	vor.u32 v3, v34;
	v35 =	vld.idx.msk [tilespmem:v22+s3+$0x0], $0xffff  }
0xd5: {  	s19 =	sadd.s32 $0x3, s17;
	v40 =	vadd.s32 s18, v2;
	v41 =	vor.u32 v9, v34;
	v34 =	vor.u32 v0, v34;
	[tilespmem:v38+s10+$0x0] =	vst.idx.msk $0xffff, v45  }
0xd6: {  	s20 =	sadd.s32 $0x2, s17;
	v43 =	vand.u32 $0x7F8, v34;
	v22 =	vand.u32 $0x7F, v40;
	v38 =	vadd.s32 s19, v2;
	v37 =	vld.idx.msk [tilespmem:v42+s3+$0x0], $0xffff;
	[tilespmem:v23+s10+$0x0] =	vst.idx.msk $0xffff, v31  }
0xd7: {  	s18 =	sadd.s32 $0x1, s17;
	s17 =	sadd.s32 $0x10, s17;
	v34 =	vadd.s32 s20, v2;
	v23 =	vand.u32 $0x7F, v38;
	v42 =	vor.u32 v9, v22;
	[tilespmem:v44+s10+$0x0] =	vst.idx.msk $0xffff, v46  }
0xd8: {  	_ = 	snop  }
0xd9: {  	v10 =	vadd.s32 s18, v2  }
0xda: {  	v11 =	vand.u32 $0x7F, v34;
	v12 =	vor.u32 v9, v23;
	v50 =	vor.u32 v18, v43  }
0xdb: {  	v51 =	vor.u32 v0, v22;
	v40 =	vand.u32 $0x7, v40;
	v52 =	vor.u32 v0, v23  }
0xdc: {  	v13 =	vld.idx.msk [tilespmem:v29+s3+$0x0], $0xffff;
	v44 =	vor.u32 v8, v22;
	v29 =	vand.u32 $0x7F, v10;
	v31 =	vor.u32 v9, v11  }
0xdd: {  	[tilespmem:v36+s10+$0x0] =	vst.idx.msk $0xffff, v39;
	v53 =	vand.u32 $0x7, v38;
	v56 =	vor.u32 v8, v23;
	v9 =	vor.u32 v9, v29  }
0xde: {  	v41 =	vld.idx.msk [tilespmem:v41+s3+$0x0], $0xffff;
	v59 =	vor.u32 v3, v22;
	v39 =	vand.u32 $0x7F8, v51;
	[tilespmem:v20+s10+$0x0] =	vst.idx.msk $0xffff, v35;
	v20 =	vand.u32 $0x7F8, v52  }
0xdf: {  	v54 =	vld.idx.msk [tilespmem:v42+s3+$0x0], $0xffff;
	v55 =	vor.u32 v0, v11;
	v39 =	vor.u32 v40, v39;
	v20 =	vor.u32 v53, v20  }
0xe0: {  	v58 =	vand.u32 $0x7, v34;
	v57 =	vand.u32 $0x7F8, v55;
	[tilespmem:v24+s10+$0x0] =	vst.idx.msk $0xffff, v37;
	v24 =	vor.u32 v0, v29;
	v12 =	vld.idx.msk [tilespmem:v12+s3+$0x0], $0xffff  }
0xe1: {  	v10 =	vand.u32 $0x7, v10;
	[tilespmem:v28+s10+$0x0] =	vst.idx.msk $0xffff, v13;
	v13 =	vand.u32 $0x7F8, v24;
	v24 =	vor.u32 v58, v57;
	v31 =	vld.idx.msk [tilespmem:v31+s3+$0x0], $0xffff  }
0xe2: {  	v60 =	vor.u32 v3, v23;
	v61 =	vor.u32 v7, v22;
	v13 =	vor.u32 v10, v13;
	v9 =	vld.idx.msk [tilespmem:v9+s3+$0x0], $0xffff  }
0xe3: {  	v32 =	vand.u32 $0xFF8, v32;
	v63 =	vor.u32 v4, v23;
	v28 =	vor.u32 v8, v11;
	[tilespmem:v50+s10+$0x0] =	vst.idx.msk $0xffff, v41  }
0xe4: {  	v26 =	vand.u32 $0x17F8, v26;
	v36 =	vand.u32 $0xFF8, v59;
	v8 =	vor.u32 v8, v29;
	v30 =	vld.idx.msk [tilespmem:v30+s3+$0x0], $0xffff;
	[tilespmem:v39+s10+$0x0] =	vst.idx.msk $0xffff, v54  }
0xe5: {  	v32 =	vor.u32 v18, v32;
	v36 =	vor.u32 v40, v36;
	[tilespmem:v20+s10+$0x0] =	vst.idx.msk $0xffff, v12;
	v20 =	vld.idx.msk [tilespmem:v44+s3+$0x0], $0xffff  }
0xe6: {  	v21 =	vand.u32 $0x1FF8, v21;
	v12 =	vand.u32 $0xFF8, v60;
	[tilespmem:v24+s10+$0x0] =	vst.idx.msk $0xffff, v31;
	v24 =	vor.u32 v3, v11;
	v31 =	vld.idx.msk [tilespmem:v56+s3+$0x0], $0xffff  }
0xe7: {  	v12 =	vor.u32 v53, v12;
	[tilespmem:v13+s10+$0x0] =	vst.idx.msk $0xffff, v9;
	v9 =	vor.u32 v3, v29;
	v24 =	vand.u32 $0xFF8, v24  }
0xe8: {  	v62 =	vor.u32 v7, v11;
	v13 =	vld.idx.msk [tilespmem:v28+s3+$0x0], $0xffff;
	v9 =	vand.u32 $0xFF8, v9;
	v24 =	vor.u32 v58, v24  }
0xe9: {  	v26 =	vor.u32 v18, v26;
	v28 =	vor.u32 v7, v23;
	v8 =	vld.idx.msk [tilespmem:v8+s3+$0x0], $0xffff;
	v9 =	vor.u32 v10, v9  }
0xea: {  	v33 =	vld.idx.msk [tilespmem:v33+s3+$0x0], $0xffff;
	v18 =	vor.u32 v18, v21;
	[tilespmem:v32+s10+$0x0] =	vst.idx.msk $0xffff, v30;
	v30 =	vor.u32 v4, v22  }
0xeb: {  	v15 =	vld.idx.msk [tilespmem:v15+s3+$0x0], $0xffff;
	v7 =	vor.u32 v7, v29;
	[tilespmem:v36+s10+$0x0] =	vst.idx.msk $0xffff, v20;
	v20 =	vand.u32 $0x17F8, v30  }
0xec: {  	v27 =	vld.idx.msk [tilespmem:v27+s3+$0x0], $0xffff;
	[tilespmem:v12+s10+$0x0] =	vst.idx.msk $0xffff, v31;
	v12 =	vand.u32 $0x17F8, v63;
	v20 =	vor.u32 v40, v20  }
0xed: {  	v31 =	vld.idx.msk [tilespmem:v61+s3+$0x0], $0xffff;
	v12 =	vor.u32 v53, v12;
	[tilespmem:v24+s10+$0x0] =	vst.idx.msk $0xffff, v13;
	v13 =	vor.u32 v4, v11  }
0xee: {  	v24 =	vld.idx.msk [tilespmem:v28+s3+$0x0], $0xffff;
	[tilespmem:v9+s10+$0x0] =	vst.idx.msk $0xffff, v8;
	v8 =	vor.u32 v4, v29;
	v13 =	vand.u32 $0x17F8, v13  }
0xef: {  	v30 =	vor.u32 v6, v22;
	v9 =	vld.idx.msk [tilespmem:v62+s3+$0x0], $0xffff;
	v8 =	vand.u32 $0x17F8, v8;
	v13 =	vor.u32 v58, v13  }
0xf0: {  	[tilespmem:v25+s10+$0x0] =	vst.idx.msk $0xffff, v33;
	v28 =	vor.u32 v6, v23;
	v7 =	vld.idx.msk [tilespmem:v7+s3+$0x0], $0xffff;
	v8 =	vor.u32 v10, v8  }
0xf1: {  	v25 =	vor.u32 v6, v11;
	v17 =	vld.idx.msk [tilespmem:v17+s3+$0x0], $0xffff;
	v22 =	vor.u32 v5, v22;
	[tilespmem:v26+s10+$0x0] =	vst.idx.msk $0xffff, v27  }
0xf2: {  	v6 =	vor.u32 v6, v29;
	v23 =	vor.u32 v5, v23;
	[tilespmem:v20+s10+$0x0] =	vst.idx.msk $0xffff, v31;
	v20 =	vand.u32 $0x1FF8, v22  }
0xf3: {  	v19 =	vld.idx.msk [tilespmem:v19+s3+$0x0], $0xffff;
	v20 =	vor.u32 v40, v20;
	[tilespmem:v12+s10+$0x0] =	vst.idx.msk $0xffff, v24;
	v12 =	vand.u32 $0x1FF8, v23  }
0xf4: {  	v21 =	vld.idx.msk [tilespmem:v30+s3+$0x0], $0xffff;
	v12 =	vor.u32 v53, v12;
	[tilespmem:v13+s10+$0x0] =	vst.idx.msk $0xffff, v9;
	v9 =	vor.u32 v5, v11  }
0xf5: {  	v11 =	vld.idx.msk [tilespmem:v28+s3+$0x0], $0xffff;
	[tilespmem:v8+s10+$0x0] =	vst.idx.msk $0xffff, v7;
	v7 =	vor.u32 v5, v29;
	v8 =	vand.u32 $0x1FF8, v9  }
0xf6: {  	[tilespmem:v14+s10+$0x0] =	vst.idx.msk $0xffff, v15;
	v9 =	vld.idx.msk [tilespmem:v25+s3+$0x0], $0xffff;
	v7 =	vand.u32 $0x1FF8, v7;
	v8 =	vor.u32 v58, v8  }
0xf7: {  	[tilespmem:v16+s10+$0x0] =	vst.idx.msk $0xffff, v17;
	v6 =	vld.idx.msk [tilespmem:v6+s3+$0x0], $0xffff;
	v7 =	vor.u32 v10, v7  }
0xf8: {  	[tilespmem:v18+s10+$0x0] =	vst.idx.msk $0xffff, v19  }
0xf9: {  	[tilespmem:v20+s10+$0x0] =	vst.idx.msk $0xffff, v21  }
0xfa: {  	s17 =	sadd.s32 s4, s16;
	[tilespmem:v12+s10+$0x0] =	vst.idx.msk $0xffff, v11  }
0xfb: {  	s17 =	sshll.u32 s17, $0x4;
	[tilespmem:v8+s10+$0x0] =	vst.idx.msk $0xffff, v9  }
0xfc: {  	p0 =	seq.s32 s15, $0x0;
	s17 =	sadd.s32 s2, s17;
	[tilespmem:v7+s10+$0x0] =	vst.idx.msk $0xffff, v6  }
0xfd: {  	[hbm4b:s17+s3] =	stream.linear.scatter [tilespmem:s10], [sflag:$0x1], $0x2000, $0x38;
	[tilespmem:$0x14700] =	vst v63  }
0xfe: {  	s17 =	simm.s32 @!p0 $0x2  }
0xff: {  	_ =	swait.ge @!p0 [sflag:s17], $0x2000  }
0x100: {  	[sflag:s17] =	ssyncset.done @!p0 $0x0  }
0x101: {  	[sflag:s17] =	ssyncadd.s32 @!p0 $0xFFFFE000  }
0x102: {  	v6 =	vld [tilespmem:s16+$0x8740];
	_ =	sdelay $0x3  }
0x103: {  	s31 =	simm.s32 $0xF  }
0x104: {  	s30 =	simm.s32 $0x0;
	v17 =	vadd.s32 s31, v2;
	v15 =	vld [tilespmem:s16+$0x8770];
	v9 =	vshll.u32 v6, $0x7  }
0x105: {  	v18 =	vand.u32 $0x7F, v17;
	v6 =	vadd.s32 s30, v2;
	v10 =	vor.u32 v1, v9  }
0x106: {  	v7 =	vld [tilespmem:s16+$0x8750];
	v14 =	vand.u32 $0x78, v6;
	v16 =	vand.u32 $0x7F, v6;
	v19 =	vor.u32 v9, v18  }
0x107: {  	v12 =	vor.u32 v14, v10;
	v6 =	vor.u32 v0, v16  }
0x108: {  	v6 =	vand.u32 $0x7F8, v6  }
0x109: {  	v21 =	vor.u32 v1, v6;
	v6 =	vshll.u32 v15, $0x7;
	v15 =	vor.u32 v0, v18  }
0x10a: {  	s18 =	simm.s32 $0xE;
	v17 =	vand.u32 $0x7, v17;
	v13 =	vld [tilespmem:s16+$0x8760];
	v15 =	vand.u32 $0x7F8, v15  }
0x10b: {  	v24 =	vadd.s32 s18, v2;
	v8 =	vshll.u32 v7, $0x7;
	v19 =	vld.idx.msk [tilespmem:v19+s3+$0x0], $0xffff;
	v15 =	vor.u32 v17, v15  }
0x10c: {  	s19 =	simm.s32 $0xD;
	v39 =	vor.u32 v4, v18;
	v40 =	vor.u32 v5, v18;
	v11 =	vor.u32 v1, v8;
	v20 =	vld.idx.msk [tilespmem:v12+s3+$0x0], $0xffff  }
0x10d: {  	v28 =	vadd.s32 s19, v2;
	v32 =	vand.u32 $0x17F8, v39;
	v22 =	vor.u32 v14, v11  }
0x10e: {  	v29 =	vor.u32 v3, v18;
	v30 =	vand.u32 $0x7F, v28;
	v28 =	vand.u32 $0x7, v28  }
0x10f: {  	v29 =	vand.u32 $0xFF8, v29;
	v44 =	vor.u32 v3, v30;
	v47 =	vor.u32 v5, v30  }
0x110: {  	v49 =	vor.u32 v4, v30;
	v7 =	vshll.u32 v13, $0x7;
	v23 =	vor.u32 v3, v16;
	[tilespmem:v15+s11+$0x0] =	vst.idx.msk $0xffff, v19  }
0x111: {  	v12 =	vor.u32 v1, v7;
	v15 =	vor.u32 v9, v30;
	[tilespmem:v21+s11+$0x0] =	vst.idx.msk $0xffff, v20;
	v20 =	vand.u32 $0xFF8, v23  }
0x112: {  	v21 =	vand.u32 $0x7F, v24;
	v23 =	vor.u32 v8, v18;
	v22 =	vld.idx.msk [tilespmem:v22+s3+$0x0], $0xffff;
	v20 =	vor.u32 v1, v20  }
0x113: {  	v26 =	vor.u32 v14, v12;
	v25 =	vor.u32 v9, v21;
	v31 =	vor.u32 v0, v21  }
0x114: {  	s23 =	simm.s32 $0x9;
	v19 =	vor.u32 v17, v29;
	v29 =	vand.u32 $0x7F8, v31;
	v31 =	vor.u32 v0, v30  }
0x115: {  	v58 =	vadd.s32 s23, v2;
	v41 =	vor.u32 v8, v30;
	v31 =	vand.u32 $0x7F8, v31  }
0x116: {  	s30 =	simm.s32 $0x3;
	v27 =	vor.u32 v5, v16;
	v16 =	vor.u32 v4, v16;
	v15 =	vld.idx.msk [tilespmem:v15+s3+$0x0], $0xffff;
	v31 =	vor.u32 v28, v31  }
0x117: {  	v38 =	vadd.s32 s30, v2;
	v16 =	vand.u32 $0x17F8, v16;
	v23 =	vld.idx.msk [tilespmem:v23+s3+$0x0], $0xffff;
	[tilespmem:v20+s11+$0x0] =	vst.idx.msk $0xffff, v22;
	v20 =	vand.u32 $0x7, v24  }
0x118: {  	v13 =	vor.u32 v1, v6;
	v24 =	vld.idx.msk [tilespmem:v25+s3+$0x0], $0xffff;
	v25 =	vand.u32 $0x1FF8, v27;
	v27 =	vor.u32 v20, v29  }
0x119: {  	v16 =	vor.u32 v1, v16;
	v14 =	vor.u32 v14, v13;
	v42 =	vor.u32 v6, v21;
	v26 =	vld.idx.msk [tilespmem:v26+s3+$0x0], $0xffff  }
0x11a: {  	v43 =	vor.u32 v5, v21;
	v22 =	vor.u32 v7, v18;
	v18 =	vor.u32 v6, v18  }
0x11b: {  	s20 =	simm.s32 $0xC;
	v45 =	vand.u32 $0x1FF8, v43;
	v25 =	vor.u32 v1, v25;
	v29 =	vor.u32 v8, v21;
	[tilespmem:v31+s11+$0x0] =	vst.idx.msk $0xffff, v15  }
0x11c: {  	v15 =	vor.u32 v7, v21;
	[tilespmem:v19+s11+$0x0] =	vst.idx.msk $0xffff, v23;
	v19 =	vor.u32 v17, v32;
	v23 =	vadd.s32 s20, v2  }
0x11d: {  	v32 =	vand.u32 $0x1FF8, v47;
	[tilespmem:v27+s11+$0x0] =	vst.idx.msk $0xffff, v24;
	v24 =	vor.u32 v3, v21;
	v27 =	vand.u32 $0x7F, v23  }
0x11e: {  	[tilespmem:v16+s11+$0x0] =	vst.idx.msk $0xffff, v26;
	v23 =	vand.u32 $0x7, v23;
	v16 =	vand.u32 $0xFF8, v24;
	v24 =	vand.u32 $0x1FF8, v40  }
0x11f: {  	v22 =	vld.idx.msk [tilespmem:v22+s3+$0x0], $0xffff;
	v26 =	vor.u32 v9, v27;
	v46 =	vor.u32 v0, v27;
	v48 =	vor.u32 v8, v27  }
0x120: {  	v14 =	vld.idx.msk [tilespmem:v14+s3+$0x0], $0xffff;
	v51 =	vor.u32 v5, v27;
	v52 =	vor.u32 v3, v27;
	v16 =	vor.u32 v20, v16  }
0x121: {  	s24 =	simm.s32 $0x8;
	v29 =	vld.idx.msk [tilespmem:v29+s3+$0x0], $0xffff;
	v17 =	vor.u32 v17, v24;
	v24 =	vor.u32 v4, v21;
	v21 =	vand.u32 $0xFF8, v44  }
0x122: {  	s29 =	simm.s32 $0x4;
	v31 =	vld.idx.msk [tilespmem:v41+s3+$0x0], $0xffff;
	v53 =	vor.u32 v4, v27;
	v44 =	vadd.s32 s24, v2;
	v21 =	vor.u32 v28, v21  }
0x123: {  	v40 =	vadd.s32 s29, v2;
	v24 =	vand.u32 $0x17F8, v24;
	v36 =	vand.u32 $0x7F, v44  }
0x124: {  	[tilespmem:v19+s11+$0x0] =	vst.idx.msk $0xffff, v22;
	v19 =	vor.u32 v20, v45;
	v22 =	vand.u32 $0x7F8, v46;
	v20 =	vor.u32 v20, v24  }
0x125: {  	s21 =	simm.s32 $0xB;
	v24 =	vor.u32 v7, v30;
	v22 =	vor.u32 v23, v22;
	v26 =	vld.idx.msk [tilespmem:v26+s3+$0x0], $0xffff;
	[tilespmem:v25+s11+$0x0] =	vst.idx.msk $0xffff, v14  }
0x126: {  	[tilespmem:v16+s11+$0x0] =	vst.idx.msk $0xffff, v29;
	v29 =	vor.u32 v6, v30;
	v16 =	vadd.s32 s21, v2;
	v30 =	vand.u32 $0x17F8, v49  }
0x127: {  	v50 =	vand.u32 $0x7F, v16;
	[tilespmem:v21+s11+$0x0] =	vst.idx.msk $0xffff, v31;
	v21 =	vor.u32 v28, v30;
	v28 =	vor.u32 v28, v32  }
0x128: {  	v15 =	vld.idx.msk [tilespmem:v15+s3+$0x0], $0xffff;
	v31 =	vor.u32 v6, v27;
	v55 =	vand.u32 $0x7, v16;
	v30 =	vor.u32 v9, v50  }
0x129: {  	v54 =	vor.u32 v0, v50;
	v32 =	vor.u32 v6, v50;
	v16 =	vor.u32 v5, v50  }
0x12a: {  	[tilespmem:v22+s11+$0x0] =	vst.idx.msk $0xffff, v26;
	v22 =	vld.idx.msk [tilespmem:v24+s3+$0x0], $0xffff;
	v24 =	vand.u32 $0xFF8, v52;
	v26 =	vor.u32 v7, v27;
	v27 =	vand.u32 $0x1FF8, v51  }
0x12b: {  	v16 =	vand.u32 $0x1FF8, v16;
	v14 =	vor.u32 v23, v24;
	v25 =	vor.u32 v23, v27;
	v27 =	vld.idx.msk [tilespmem:v48+s3+$0x0], $0xffff  }
0x12c: {  	s26 =	simm.s32 $0x6;
	v56 =	vor.u32 v8, v50;
	v35 =	vor.u32 v3, v50;
	v16 =	vor.u32 v55, v16  }
0x12d: {  	v52 =	vadd.s32 s26, v2;
	v24 =	vand.u32 $0x17F8, v53;
	[tilespmem:v20+s11+$0x0] =	vst.idx.msk $0xffff, v15;
	v15 =	vand.u32 $0x7F8, v54  }
0x12e: {  	s22 =	simm.s32 $0xA;
	v24 =	vor.u32 v23, v24;
	v23 =	vor.u32 v4, v50;
	v15 =	vor.u32 v55, v15;
	v30 =	vld.idx.msk [tilespmem:v30+s3+$0x0], $0xffff  }
0x12f: {  	v18 =	vld.idx.msk [tilespmem:v18+s3+$0x0], $0xffff;
	v20 =	vor.u32 v7, v50;
	v23 =	vand.u32 $0x17F8, v23;
	[tilespmem:v21+s11+$0x0] =	vst.idx.msk $0xffff, v22;
	v21 =	vadd.s32 s22, v2  }
0x130: {  	v22 =	vand.u32 $0xFF8, v35;
	[tilespmem:v14+s11+$0x0] =	vst.idx.msk $0xffff, v27;
	v14 =	vand.u32 $0x7F, v21;
	v27 =	vor.u32 v55, v23;
	v23 =	vld.idx.msk [tilespmem:v42+s3+$0x0], $0xffff  }
0x131: {  	v21 =	vand.u32 $0x7, v21;
	v22 =	vor.u32 v55, v22;
	v29 =	vld.idx.msk [tilespmem:v29+s3+$0x0], $0xffff;
	v57 =	vor.u32 v9, v14  }
0x132: {  	v26 =	vld.idx.msk [tilespmem:v26+s3+$0x0], $0xffff;
	v35 =	vor.u32 v6, v14;
	v59 =	vor.u32 v5, v14;
	v60 =	vor.u32 v4, v14  }
0x133: {  	v62 =	vor.u32 v8, v14;
	v63 =	vor.u32 v3, v14;
	[tilespmem:v15+s11+$0x0] =	vst.idx.msk $0xffff, v30;
	v15 =	vand.u32 $0x7F, v58  }
0x134: {  	[tilespmem:v17+s11+$0x0] =	vst.idx.msk $0xffff, v18;
	v30 =	vor.u32 v7, v14;
	v14 =	vor.u32 v0, v14;
	v18 =	vand.u32 $0x17F8, v60  }
0x135: {  	v43 =	vand.u32 $0x1FF8, v59;
	v61 =	vor.u32 v9, v15;
	v17 =	vld.idx.msk [tilespmem:v56+s3+$0x0], $0xffff;
	v18 =	vor.u32 v21, v18  }
0x136: {  	v14 =	vand.u32 $0x7F8, v14;
	v45 =	vor.u32 v8, v15;
	v46 =	vor.u32 v7, v15;
	[tilespmem:v19+s11+$0x0] =	vst.idx.msk $0xffff, v23  }
0x137: {  	v47 =	vor.u32 v4, v15;
	v14 =	vor.u32 v21, v14;
	v19 =	vand.u32 $0xFF8, v63;
	[tilespmem:v28+s11+$0x0] =	vst.idx.msk $0xffff, v29  }
0x138: {  	v23 =	vor.u32 v21, v43;
	v29 =	vand.u32 $0x7, v58;
	v33 =	vld.idx.msk [tilespmem:v57+s3+$0x0], $0xffff;
	[tilespmem:v24+s11+$0x0] =	vst.idx.msk $0xffff, v26;
	v24 =	vand.u32 $0x78, v44  }
0x139: {  	v26 =	vor.u32 v0, v15;
	v19 =	vor.u32 v21, v19;
	v21 =	vld.idx.msk [tilespmem:v31+s3+$0x0], $0xffff;
	v28 =	vor.u32 v24, v10  }
0x13a: {  	v26 =	vand.u32 $0x7F8, v26;
	v31 =	vor.u32 v5, v15;
	v49 =	vor.u32 v24, v13  }
0x13b: {  	v51 =	vor.u32 v24, v12;
	[tilespmem:v22+s11+$0x0] =	vst.idx.msk $0xffff, v17;
	v17 =	vor.u32 v29, v26;
	v26 =	vld.idx.msk [tilespmem:v61+s3+$0x0], $0xffff  }
0x13c: {  	v22 =	vor.u32 v6, v15;
	v15 =	vor.u32 v3, v15;
	v48 =	vld.idx.msk [tilespmem:v20+s3+$0x0], $0xffff;
	v20 =	vand.u32 $0x1FF8, v31  }
0x13d: {  	v31 =	vand.u32 $0x17F8, v47;
	v15 =	vand.u32 $0xFF8, v15;
	v20 =	vor.u32 v29, v20;
	[tilespmem:v14+s11+$0x0] =	vst.idx.msk $0xffff, v33  }
0x13e: {  	v15 =	vor.u32 v29, v15;
	v14 =	vor.u32 v0, v36;
	v33 =	vld.idx.msk [tilespmem:v62+s3+$0x0], $0xffff;
	[tilespmem:v25+s11+$0x0] =	vst.idx.msk $0xffff, v21  }
0x13f: {  	s28 =	simm.s32 $0x5;
	v14 =	vand.u32 $0x7F8, v14;
	v21 =	vor.u32 v29, v31;
	v25 =	vld.idx.msk [tilespmem:v28+s3+$0x0], $0xffff;
	v28 =	vor.u32 v5, v36  }
0x140: {  	s25 =	simm.s32 $0x7;
	v29 =	vor.u32 v4, v36;
	v36 =	vor.u32 v3, v36;
	v62 =	vadd.s32 s28, v2  }
0x141: {  	v14 =	vor.u32 v1, v14;
	[tilespmem:v17+s11+$0x0] =	vst.idx.msk $0xffff, v26;
	v17 =	vadd.s32 s25, v2;
	v26 =	vor.u32 v24, v11  }
0x142: {  	v29 =	vand.u32 $0x17F8, v29;
	v24 =	vand.u32 $0x1FF8, v28;
	v31 =	vand.u32 $0x7F, v17  }
0x143: {  	[tilespmem:v27+s11+$0x0] =	vst.idx.msk $0xffff, v48;
	v27 =	vld.idx.msk [tilespmem:v45+s3+$0x0], $0xffff;
	v24 =	vor.u32 v1, v24;
	v53 =	vor.u32 v1, v29  }
0x144: {  	v63 =	vand.u32 $0x7F, v62;
	v50 =	vor.u32 v9, v31;
	v32 =	vld.idx.msk [tilespmem:v32+s3+$0x0], $0xffff;
	[tilespmem:v19+s11+$0x0] =	vst.idx.msk $0xffff, v33;
	v19 =	vand.u32 $0x7F, v52  }
0x145: {  	v41 =	vor.u32 v9, v63;
	v37 =	vor.u32 v0, v63;
	v28 =	vor.u32 v9, v19  }
0x146: {  	v39 =	vand.u32 $0x7, v52;
	v54 =	vor.u32 v5, v31;
	[tilespmem:v14+s11+$0x0] =	vst.idx.msk $0xffff, v25;
	v14 =	vand.u32 $0xFF8, v36;
	v25 =	vld.idx.msk [tilespmem:v30+s3+$0x0], $0xffff  }
0x147: {  	v29 =	vor.u32 v7, v31;
	v56 =	vor.u32 v0, v19;
	v30 =	vor.u32 v1, v14;
	v26 =	vld.idx.msk [tilespmem:v26+s3+$0x0], $0xffff  }
0x148: {  	v17 =	vand.u32 $0x7, v17;
	v14 =	vor.u32 v0, v31;
	[tilespmem:v15+s11+$0x0] =	vst.idx.msk $0xffff, v27;
	v27 =	vor.u32 v4, v31  }
0x149: {  	v33 =	vand.u32 $0x1FF8, v54;
	v15 =	vor.u32 v6, v31;
	v14 =	vand.u32 $0x7F8, v14;
	v34 =	vld.idx.msk [tilespmem:v50+s3+$0x0], $0xffff;
	[tilespmem:v16+s11+$0x0] =	vst.idx.msk $0xffff, v32  }
0x14a: {  	v55 =	vor.u32 v17, v14;
	v14 =	vor.u32 v3, v31;
	v57 =	vld.idx.msk [tilespmem:v28+s3+$0x0], $0xffff;
	v28 =	vand.u32 $0x7F8, v56  }
0x14b: {  	v27 =	vand.u32 $0x17F8, v27;
	v31 =	vor.u32 v8, v31;
	[tilespmem:v18+s11+$0x0] =	vst.idx.msk $0xffff, v25;
	v18 =	vor.u32 v39, v28  }
0x14c: {  	v32 =	vor.u32 v3, v63;
	v25 =	vand.u32 $0xFF8, v14;
	[tilespmem:v30+s11+$0x0] =	vst.idx.msk $0xffff, v26;
	v30 =	vor.u32 v8, v19  }
0x14d: {  	v14 =	vor.u32 v17, v33;
	v33 =	vor.u32 v7, v19;
	v26 =	vld.idx.msk [tilespmem:v46+s3+$0x0], $0xffff;
	v58 =	vor.u32 v17, v25  }
0x14e: {  	v28 =	vor.u32 v17, v27;
	v17 =	vor.u32 v6, v19;
	v25 =	vor.u32 v5, v19;
	v59 =	vld.idx.msk [tilespmem:v35+s3+$0x0], $0xffff  }
0x14f: {  	v27 =	vor.u32 v3, v19;
	v19 =	vor.u32 v4, v19;
	v60 =	vld.idx.msk [tilespmem:v51+s3+$0x0], $0xffff;
	[tilespmem:v55+s11+$0x0] =	vst.idx.msk $0xffff, v34  }
0x150: {  	v27 =	vand.u32 $0xFF8, v27;
	v19 =	vand.u32 $0x17F8, v19;
	v61 =	vand.u32 $0x1FF8, v25;
	v31 =	vld.idx.msk [tilespmem:v31+s3+$0x0], $0xffff;
	[tilespmem:v18+s11+$0x0] =	vst.idx.msk $0xffff, v57  }
0x151: {  	v25 =	vor.u32 v39, v19;
	v16 =	vor.u32 v39, v61;
	v36 =	vor.u32 v39, v27;
	v39 =	vld.idx.msk [tilespmem:v30+s3+$0x0], $0xffff  }
0x152: {  	s31 =	simm.s32 $0x2;
	v43 =	vand.u32 $0x7F8, v37;
	v19 =	vor.u32 v6, v63;
	v27 =	vor.u32 v7, v63;
	[tilespmem:v21+s11+$0x0] =	vst.idx.msk $0xffff, v26  }
0x153: {  	v34 =	vadd.s32 s31, v2;
	v18 =	vand.u32 $0x7, v62;
	v26 =	vor.u32 v4, v63;
	[tilespmem:v23+s11+$0x0] =	vst.idx.msk $0xffff, v59  }
0x154: {  	v21 =	vor.u32 v5, v63;
	v23 =	vand.u32 $0x7F, v38;
	[tilespmem:v53+s11+$0x0] =	vst.idx.msk $0xffff, v60;
	v35 =	vld.idx.msk [tilespmem:v22+s3+$0x0], $0xffff;
	v22 =	vand.u32 $0x7F, v40  }
0x155: {  	s18 =	simm.s32 $0x1;
	s17 =	simm.s32 $0x10;
	s16 =	sor.u32 $0x40, s16;
	v30 =	vor.u32 v8, v63;
	v37 =	vld.idx.msk [tilespmem:v49+s3+$0x0], $0xffff;
	v42 =	vor.u32 v9, v22;
	[tilespmem:v58+s11+$0x0] =	vst.idx.msk $0xffff, v31  }
.LBB2_5:
0x156: {  	p0 =	slt.u32 s17, $0x70;
	v44 =	vadd.s32 s18, v2;
	v31 =	vand.u32 $0x7F, v34;
	v45 =	vor.u32 v9, v23;
	[tilespmem:v36+s11+$0x0] =	vst.idx.msk $0xffff, v39;
	v36 =	vld.idx.msk [tilespmem:v29+s3+$0x0], $0xffff  }
0x157: {  	v43 =	vor.u32 v18, v43;
	v29 =	vand.u32 $0x7F, v44;
	v39 =	vor.u32 v9, v31;
	v33 =	vld.idx.msk [tilespmem:v33+s3+$0x0], $0xffff  }
0x158: {  	v47 =	vor.u32 v0, v22;
	v40 =	vand.u32 $0x7, v40;
	v46 =	vor.u32 v9, v29;
	v41 =	vld.idx.msk [tilespmem:v41+s3+$0x0], $0xffff  }
0x159: {  	v48 =	vor.u32 v0, v23;
	v49 =	vor.u32 v8, v22;
	v47 =	vand.u32 $0x7F8, v47;
	[tilespmem:v20+s11+$0x0] =	vst.idx.msk $0xffff, v35  }
0x15a: {  	v20 =	vand.u32 $0x7F8, v48;
	v35 =	vand.u32 $0x7, v38;
	v38 =	vld.idx.msk [tilespmem:v42+s3+$0x0], $0xffff;
	v42 =	vor.u32 v40, v47;
	[tilespmem:v24+s11+$0x0] =	vst.idx.msk $0xffff, v37  }
0x15b: {  	v24 =	vor.u32 v0, v31;
	v20 =	vor.u32 v35, v20;
	v37 =	vld.idx.msk [tilespmem:v45+s3+$0x0], $0xffff;
	v45 =	vor.u32 v8, v23  }
0x15c: {  	v34 =	vand.u32 $0x7, v34;
	v47 =	vor.u32 v0, v29;
	v24 =	vand.u32 $0x7F8, v24;
	v39 =	vld.idx.msk [tilespmem:v39+s3+$0x0], $0xffff;
	[tilespmem:v28+s11+$0x0] =	vst.idx.msk $0xffff, v36  }
0x15d: {  	v44 =	vand.u32 $0x7, v44;
	v36 =	vand.u32 $0x7F8, v47;
	v24 =	vor.u32 v34, v24;
	v28 =	vld.idx.msk [tilespmem:v46+s3+$0x0], $0xffff;
	[tilespmem:v25+s11+$0x0] =	vst.idx.msk $0xffff, v33  }
0x15e: {  	v32 =	vand.u32 $0xFF8, v32;
	v25 =	vor.u32 v44, v36;
	v33 =	vor.u32 v8, v31;
	[tilespmem:v43+s11+$0x0] =	vst.idx.msk $0xffff, v41  }
0x15f: {  	v32 =	vor.u32 v18, v32;
	v36 =	vor.u32 v8, v29;
	v41 =	vor.u32 v3, v22;
	v30 =	vld.idx.msk [tilespmem:v30+s3+$0x0], $0xffff  }
0x160: {  	v43 =	vor.u32 v3, v23;
	[tilespmem:v42+s11+$0x0] =	vst.idx.msk $0xffff, v38;
	v38 =	vand.u32 $0xFF8, v41;
	v41 =	vor.u32 v7, v22  }
0x161: {  	[tilespmem:v20+s11+$0x0] =	vst.idx.msk $0xffff, v37;
	v20 =	vand.u32 $0xFF8, v43;
	v37 =	vld.idx.msk [tilespmem:v49+s3+$0x0], $0xffff;
	v38 =	vor.u32 v40, v38  }
0x162: {  	[tilespmem:v24+s11+$0x0] =	vst.idx.msk $0xffff, v39;
	v24 =	vor.u32 v3, v31;
	v39 =	vld.idx.msk [tilespmem:v45+s3+$0x0], $0xffff;
	v20 =	vor.u32 v35, v20  }
0x163: {  	[tilespmem:v25+s11+$0x0] =	vst.idx.msk $0xffff, v28;
	v25 =	vor.u32 v3, v29;
	v28 =	vld.idx.msk [tilespmem:v33+s3+$0x0], $0xffff;
	v24 =	vand.u32 $0xFF8, v24  }
0x164: {  	v33 =	vld.idx.msk [tilespmem:v36+s3+$0x0], $0xffff;
	v25 =	vand.u32 $0xFF8, v25;
	v24 =	vor.u32 v34, v24;
	v36 =	vor.u32 v7, v23  }
0x165: {  	v26 =	vand.u32 $0x17F8, v26;
	v42 =	vor.u32 v7, v31;
	v25 =	vor.u32 v44, v25;
	[tilespmem:v32+s11+$0x0] =	vst.idx.msk $0xffff, v30  }
0x166: {  	v26 =	vor.u32 v18, v26;
	v30 =	vor.u32 v7, v29;
	v32 =	vor.u32 v4, v22;
	v27 =	vld.idx.msk [tilespmem:v27+s3+$0x0], $0xffff  }
0x167: {  	v43 =	vor.u32 v4, v23;
	v32 =	vand.u32 $0x17F8, v32;
	[tilespmem:v38+s11+$0x0] =	vst.idx.msk $0xffff, v37;
	v37 =	vor.u32 v6, v22  }
0x168: {  	v32 =	vor.u32 v40, v32;
	[tilespmem:v20+s11+$0x0] =	vst.idx.msk $0xffff, v39;
	v20 =	vand.u32 $0x17F8, v43;
	v38 =	vld.idx.msk [tilespmem:v41+s3+$0x0], $0xffff  }
0x169: {  	[tilespmem:v24+s11+$0x0] =	vst.idx.msk $0xffff, v28;
	v24 =	vor.u32 v4, v31;
	v28 =	vld.idx.msk [tilespmem:v36+s3+$0x0], $0xffff;
	v20 =	vor.u32 v35, v20  }
0x16a: {  	v21 =	vand.u32 $0x1FF8, v21;
	[tilespmem:v25+s11+$0x0] =	vst.idx.msk $0xffff, v33;
	v25 =	vor.u32 v4, v29;
	v33 =	vld.idx.msk [tilespmem:v42+s3+$0x0], $0xffff;
	v24 =	vand.u32 $0x17F8, v24  }
0x16b: {  	v36 =	vor.u32 v6, v23;
	v30 =	vld.idx.msk [tilespmem:v30+s3+$0x0], $0xffff;
	v25 =	vand.u32 $0x17F8, v25;
	v24 =	vor.u32 v34, v24  }
0x16c: {  	v18 =	vor.u32 v18, v21;
	v39 =	vor.u32 v6, v31;
	v25 =	vor.u32 v44, v25;
	v15 =	vld.idx.msk [tilespmem:v15+s3+$0x0], $0xffff  }
0x16d: {  	v21 =	vor.u32 v6, v29;
	v22 =	vor.u32 v5, v22;
	[tilespmem:v26+s11+$0x0] =	vst.idx.msk $0xffff, v27;
	v17 =	vld.idx.msk [tilespmem:v17+s3+$0x0], $0xffff  }
0x16e: {  	v22 =	vand.u32 $0x1FF8, v22;
	v23 =	vor.u32 v5, v23;
	[tilespmem:v32+s11+$0x0] =	vst.idx.msk $0xffff, v38;
	v19 =	vld.idx.msk [tilespmem:v19+s3+$0x0], $0xffff  }
0x16f: {  	v22 =	vor.u32 v40, v22;
	[tilespmem:v20+s11+$0x0] =	vst.idx.msk $0xffff, v28;
	v20 =	vand.u32 $0x1FF8, v23;
	v23 =	vld.idx.msk [tilespmem:v37+s3+$0x0], $0xffff  }
0x170: {  	[tilespmem:v24+s11+$0x0] =	vst.idx.msk $0xffff, v33;
	v24 =	vor.u32 v5, v31;
	v26 =	vld.idx.msk [tilespmem:v36+s3+$0x0], $0xffff;
	v20 =	vor.u32 v35, v20  }
0x171: {  	v27 =	vadd.s32 s17, v2;
	[tilespmem:v25+s11+$0x0] =	vst.idx.msk $0xffff, v30;
	v25 =	vor.u32 v5, v29;
	v28 =	vld.idx.msk [tilespmem:v39+s3+$0x0], $0xffff;
	v24 =	vand.u32 $0x1FF8, v24  }
0x172: {  	v29 =	vand.u32 $0x78, v27;
	v21 =	vld.idx.msk [tilespmem:v21+s3+$0x0], $0xffff;
	v25 =	vand.u32 $0x1FF8, v25;
	v24 =	vor.u32 v34, v24;
	[tilespmem:v14+s11+$0x0] =	vst.idx.msk $0xffff, v15  }
0x173: {  	v14 =	vor.u32 v29, v10;
	v15 =	vor.u32 v44, v25;
	[tilespmem:v16+s11+$0x0] =	vst.idx.msk $0xffff, v17  }
0x174: {  	s18 =	sadd.s32 $0xF, s17;
	[tilespmem:v18+s11+$0x0] =	vst.idx.msk $0xffff, v19  }
0x175: {  	v16 =	vadd.s32 s18, v2;
	[tilespmem:v22+s11+$0x0] =	vst.idx.msk $0xffff, v23  }
0x176: {  	v17 =	vand.u32 $0x7F, v27;
	v18 =	vand.u32 $0x7F, v16;
	[tilespmem:v20+s11+$0x0] =	vst.idx.msk $0xffff, v26  }
0x177: {  	v19 =	vor.u32 v0, v17;
	v20 =	vor.u32 v9, v18;
	[tilespmem:v24+s11+$0x0] =	vst.idx.msk $0xffff, v28  }
0x178: {  	v19 =	vand.u32 $0x7F8, v19;
	v14 =	vld.idx.msk [tilespmem:v14+s3+$0x0], $0xffff;
	[tilespmem:v15+s11+$0x0] =	vst.idx.msk $0xffff, v21  }
0x179: {  	v15 =	vor.u32 v1, v19  }
0x17a: {  	v19 =	vor.u32 v29, v11  }
0x17b: {  	v21 =	vor.u32 v0, v18  }
0x17c: {  	v16 =	vand.u32 $0x7, v16;
	v21 =	vand.u32 $0x7F8, v21;
	v20 =	vld.idx.msk [tilespmem:v20+s3+$0x0], $0xffff  }
0x17d: {  	s18 =	sadd.s32 $0xE, s17;
	v21 =	vor.u32 v16, v21  }
0x17e: {  	v22 =	vor.u32 v8, v18;
	[tilespmem:v15+s11+$0x0] =	vst.idx.msk $0xffff, v14;
	v14 =	vor.u32 v3, v17;
	v15 =	vadd.s32 s18, v2  }
0x17f: {  	v19 =	vld.idx.msk [tilespmem:v19+s3+$0x0], $0xffff;
	v14 =	vand.u32 $0xFF8, v14;
	v23 =	vand.u32 $0x7F, v15  }
0x180: {  	v14 =	vor.u32 v1, v14;
	v24 =	vor.u32 v9, v23  }
0x181: {  	v25 =	vor.u32 v29, v12;
	v26 =	vor.u32 v5, v17;
	s18 =	sadd.s32 $0xD, s17  }
0x182: {  	v27 =	vor.u32 v29, v13;
	v28 =	vadd.s32 s18, v2;
	[tilespmem:v21+s11+$0x0] =	vst.idx.msk $0xffff, v20;
	v20 =	vor.u32 v3, v18  }
0x183: {  	v17 =	vor.u32 v4, v17;
	v21 =	vand.u32 $0x7F, v28;
	v22 =	vld.idx.msk [tilespmem:v22+s3+$0x0], $0xffff;
	v20 =	vand.u32 $0xFF8, v20  }
0x184: {  	v30 =	vor.u32 v0, v23;
	v29 =	vor.u32 v9, v21;
	v20 =	vor.u32 v16, v20  }
0x185: {  	v15 =	vand.u32 $0x7, v15;
	[tilespmem:v14+s11+$0x0] =	vst.idx.msk $0xffff, v19;
	v14 =	vld.idx.msk [tilespmem:v24+s3+$0x0], $0xffff;
	v19 =	vand.u32 $0x7F8, v30;
	v24 =	vor.u32 v7, v18  }
0x186: {  	v26 =	vand.u32 $0x1FF8, v26;
	v17 =	vand.u32 $0x17F8, v17;
	v25 =	vld.idx.msk [tilespmem:v25+s3+$0x0], $0xffff;
	v19 =	vor.u32 v15, v19  }
0x187: {  	v26 =	vor.u32 v1, v26;
	v17 =	vor.u32 v1, v17;
	v30 =	vor.u32 v8, v23  }
0x188: {  	v32 =	vor.u32 v4, v18;
	v33 =	vor.u32 v5, v18;
	v31 =	vor.u32 v0, v21  }
0x189: {  	v28 =	vand.u32 $0x7, v28;
	v31 =	vand.u32 $0x7F8, v31;
	v29 =	vld.idx.msk [tilespmem:v29+s3+$0x0], $0xffff;
	[tilespmem:v20+s11+$0x0] =	vst.idx.msk $0xffff, v22;
	v20 =	vand.u32 $0x17F8, v32  }
0x18a: {  	s18 =	sadd.s32 $0xC, s17;
	v18 =	vor.u32 v6, v18;
	v22 =	vor.u32 v28, v31;
	v24 =	vld.idx.msk [tilespmem:v24+s3+$0x0], $0xffff;
	v20 =	vor.u32 v16, v20  }
0x18b: {  	v31 =	vadd.s32 s18, v2;
	v32 =	vor.u32 v8, v21;
	[tilespmem:v19+s11+$0x0] =	vst.idx.msk $0xffff, v14;
	v14 =	vor.u32 v3, v23  }
0x18c: {  	[tilespmem:v17+s11+$0x0] =	vst.idx.msk $0xffff, v25;
	v17 =	vand.u32 $0x7F, v31;
	v19 =	vld.idx.msk [tilespmem:v30+s3+$0x0], $0xffff;
	v14 =	vand.u32 $0xFF8, v14;
	v25 =	vand.u32 $0x1FF8, v33  }
0x18d: {  	v30 =	vor.u32 v9, v17;
	v14 =	vor.u32 v15, v14;
	v16 =	vor.u32 v16, v25  }
0x18e: {  	v34 =	vor.u32 v5, v23;
	v33 =	vor.u32 v6, v23;
	v25 =	vor.u32 v4, v23  }
0x18f: {  	v23 =	vor.u32 v7, v23;
	[tilespmem:v22+s11+$0x0] =	vst.idx.msk $0xffff, v29;
	v22 =	vor.u32 v3, v21  }
0x190: {  	v25 =	vand.u32 $0x17F8, v25;
	v29 =	vld.idx.msk [tilespmem:v32+s3+$0x0], $0xffff;
	v22 =	vand.u32 $0xFF8, v22;
	v32 =	vand.u32 $0x1FF8, v34;
	[tilespmem:v20+s11+$0x0] =	vst.idx.msk $0xffff, v24  }
0x191: {  	v20 =	vor.u32 v0, v17;
	v22 =	vor.u32 v28, v22;
	v24 =	vor.u32 v15, v32  }
0x192: {  	v31 =	vand.u32 $0x7, v31;
	v20 =	vand.u32 $0x7F8, v20;
	v30 =	vld.idx.msk [tilespmem:v30+s3+$0x0], $0xffff;
	[tilespmem:v14+s11+$0x0] =	vst.idx.msk $0xffff, v19;
	v14 =	vor.u32 v15, v25  }
0x193: {  	v19 =	vor.u32 v31, v20;
	v20 =	vor.u32 v7, v21;
	v25 =	vor.u32 v5, v21;
	v15 =	vld.idx.msk [tilespmem:v27+s3+$0x0], $0xffff  }
0x194: {  	s18 =	sadd.s32 $0xB, s17;
	v32 =	vor.u32 v4, v21;
	v21 =	vor.u32 v6, v21;
	v27 =	vor.u32 v8, v17;
	v18 =	vld.idx.msk [tilespmem:v18+s3+$0x0], $0xffff  }
0x195: {  	v34 =	vadd.s32 s18, v2;
	v32 =	vand.u32 $0x17F8, v32;
	v25 =	vand.u32 $0x1FF8, v25;
	v23 =	vld.idx.msk [tilespmem:v23+s3+$0x0], $0xffff  }
0x196: {  	v35 =	vand.u32 $0x7F, v34;
	v25 =	vor.u32 v28, v25;
	[tilespmem:v22+s11+$0x0] =	vst.idx.msk $0xffff, v29;
	v22 =	vor.u32 v28, v32  }
0x197: {  	v28 =	vor.u32 v9, v35;
	v29 =	vor.u32 v6, v17;
	v32 =	vor.u32 v5, v17  }
0x198: {  	[tilespmem:v19+s11+$0x0] =	vst.idx.msk $0xffff, v30;
	v19 =	vor.u32 v3, v17;
	v30 =	vor.u32 v4, v17;
	v20 =	vld.idx.msk [tilespmem:v20+s3+$0x0], $0xffff  }
0x199: {  	v17 =	vor.u32 v7, v17;
	[tilespmem:v26+s11+$0x0] =	vst.idx.msk $0xffff, v15;
	v15 =	vld.idx.msk [tilespmem:v27+s3+$0x0], $0xffff;
	v19 =	vand.u32 $0xFF8, v19;
	v26 =	vand.u32 $0x1FF8, v32  }
0x19a: {  	v27 =	vand.u32 $0x17F8, v30;
	v19 =	vor.u32 v31, v19;
	v26 =	vor.u32 v31, v26;
	[tilespmem:v16+s11+$0x0] =	vst.idx.msk $0xffff, v18  }
0x19b: {  	v16 =	vor.u32 v0, v35;
	v18 =	vand.u32 $0x7, v34;
	v27 =	vor.u32 v31, v27;
	[tilespmem:v14+s11+$0x0] =	vst.idx.msk $0xffff, v23  }
0x19c: {  	v16 =	vand.u32 $0x7F8, v16;
	v14 =	vor.u32 v6, v35;
	v23 =	vld.idx.msk [tilespmem:v28+s3+$0x0], $0xffff;
	v28 =	vor.u32 v5, v35  }
0x19d: {  	v31 =	vor.u32 v7, v35;
	v30 =	vor.u32 v18, v16;
	v16 =	vor.u32 v4, v35  }
0x19e: {  	s18 =	sadd.s32 $0xA, s17;
	v32 =	vor.u32 v8, v35;
	v34 =	vor.u32 v3, v35;
	v28 =	vand.u32 $0x1FF8, v28;
	[tilespmem:v22+s11+$0x0] =	vst.idx.msk $0xffff, v20  }
0x19f: {  	v16 =	vand.u32 $0x17F8, v16;
	v20 =	vadd.s32 s18, v2;
	v22 =	vand.u32 $0xFF8, v34;
	[tilespmem:v19+s11+$0x0] =	vst.idx.msk $0xffff, v15;
	v15 =	vld.idx.msk [tilespmem:v33+s3+$0x0], $0xffff  }
0x1a0: {  	v19 =	vand.u32 $0x7F, v20;
	v33 =	vor.u32 v18, v16;
	v16 =	vor.u32 v18, v28;
	v17 =	vld.idx.msk [tilespmem:v17+s3+$0x0], $0xffff  }
0x1a1: {  	s18 =	sadd.s32 $0x9, s17;
	v20 =	vand.u32 $0x7, v20;
	v22 =	vor.u32 v18, v22;
	v28 =	vor.u32 v9, v19;
	v21 =	vld.idx.msk [tilespmem:v21+s3+$0x0], $0xffff  }
0x1a2: {  	v34 =	vadd.s32 s18, v2;
	v18 =	vor.u32 v6, v19;
	v35 =	vor.u32 v5, v19;
	[tilespmem:v30+s11+$0x0] =	vst.idx.msk $0xffff, v23  }
0x1a3: {  	v36 =	vor.u32 v7, v19;
	v30 =	vand.u32 $0x7F, v34;
	v23 =	vor.u32 v4, v19;
	v32 =	vld.idx.msk [tilespmem:v32+s3+$0x0], $0xffff  }
0x1a4: {  	v38 =	vor.u32 v8, v19;
	v39 =	vor.u32 v3, v19;
	v37 =	vor.u32 v9, v30  }
0x1a5: {  	v19 =	vor.u32 v0, v19;
	v40 =	vand.u32 $0x17F8, v23;
	v23 =	vand.u32 $0x1FF8, v35;
	[tilespmem:v24+s11+$0x0] =	vst.idx.msk $0xffff, v15  }
0x1a6: {  	s18 =	sadd.s32 $0x8, s17;
	v19 =	vand.u32 $0x7F8, v19;
	v23 =	vor.u32 v20, v23;
	v24 =	vand.u32 $0xFF8, v39;
	v15 =	vld.idx.msk [tilespmem:v28+s3+$0x0], $0xffff;
	[tilespmem:v27+s11+$0x0] =	vst.idx.msk $0xffff, v17  }
0x1a7: {  	v19 =	vor.u32 v20, v19;
	v17 =	vadd.s32 s18, v2;
	v27 =	vor.u32 v20, v40;
	v28 =	vld.idx.msk [tilespmem:v29+s3+$0x0], $0xffff  }
0x1a8: {  	v35 =	vor.u32 v0, v30;
	v24 =	vor.u32 v20, v24;
	v29 =	vand.u32 $0x78, v17;
	[tilespmem:v25+s11+$0x0] =	vst.idx.msk $0xffff, v21  }
0x1a9: {  	v34 =	vand.u32 $0x7, v34;
	v20 =	vor.u32 v29, v10;
	v25 =	vand.u32 $0x7F8, v35;
	v21 =	vld.idx.msk [tilespmem:v37+s3+$0x0], $0xffff;
	[tilespmem:v22+s11+$0x0] =	vst.idx.msk $0xffff, v32  }
0x1aa: {  	v25 =	vor.u32 v34, v25;
	v22 =	vor.u32 v6, v30;
	v32 =	vor.u32 v5, v30  }
0x1ab: {  	v39 =	vor.u32 v4, v30;
	v35 =	vor.u32 v8, v30;
	v37 =	vor.u32 v7, v30;
	v31 =	vld.idx.msk [tilespmem:v31+s3+$0x0], $0xffff  }
0x1ac: {  	v17 =	vand.u32 $0x7F, v17;
	v30 =	vor.u32 v3, v30;
	v32 =	vand.u32 $0x1FF8, v32;
	[tilespmem:v19+s11+$0x0] =	vst.idx.msk $0xffff, v15  }
0x1ad: {  	v15 =	vor.u32 v0, v17;
	v19 =	vand.u32 $0xFF8, v30;
	v30 =	vand.u32 $0x17F8, v39;
	v38 =	vld.idx.msk [tilespmem:v38+s3+$0x0], $0xffff;
	[tilespmem:v26+s11+$0x0] =	vst.idx.msk $0xffff, v28  }
0x1ae: {  	v15 =	vand.u32 $0x7F8, v15;
	v30 =	vor.u32 v34, v30;
	v26 =	vld.idx.msk [tilespmem:v20+s3+$0x0], $0xffff;
	v20 =	vor.u32 v34, v32  }
0x1af: {  	s18 =	sadd.s32 $0x7, s17;
	v19 =	vor.u32 v34, v19;
	v15 =	vor.u32 v1, v15;
	[tilespmem:v25+s11+$0x0] =	vst.idx.msk $0xffff, v21  }
0x1b0: {  	v28 =	vor.u32 v5, v17;
	v21 =	vadd.s32 s18, v2;
	v25 =	vor.u32 v29, v11;
	v32 =	vld.idx.msk [tilespmem:v35+s3+$0x0], $0xffff  }
0x1b1: {  	v42 =	vor.u32 v29, v13;
	v34 =	vand.u32 $0x7F, v21;
	v35 =	vor.u32 v4, v17;
	[tilespmem:v33+s11+$0x0] =	vst.idx.msk $0xffff, v31  }
0x1b2: {  	v39 =	vor.u32 v29, v12;
	s18 =	sadd.s32 $0x6, s17;
	v17 =	vor.u32 v3, v17;
	v31 =	vor.u32 v9, v34  }
0x1b3: {  	v28 =	vand.u32 $0x1FF8, v28;
	v33 =	vadd.s32 s18, v2;
	v29 =	vand.u32 $0x17F8, v35;
	[tilespmem:v24+s11+$0x0] =	vst.idx.msk $0xffff, v38  }
0x1b4: {  	v35 =	vand.u32 $0x7F, v33;
	v24 =	vor.u32 v1, v28;
	[tilespmem:v15+s11+$0x0] =	vst.idx.msk $0xffff, v26;
	v15 =	vand.u32 $0xFF8, v17;
	v17 =	vld.idx.msk [tilespmem:v36+s3+$0x0], $0xffff  }
0x1b5: {  	v38 =	vor.u32 v1, v29;
	v26 =	vor.u32 v9, v35;
	v25 =	vld.idx.msk [tilespmem:v25+s3+$0x0], $0xffff;
	v28 =	vor.u32 v1, v15  }
0x1b6: {  	v21 =	vand.u32 $0x7, v21;
	v36 =	vor.u32 v5, v34;
	v15 =	vor.u32 v0, v34;
	[tilespmem:v19+s11+$0x0] =	vst.idx.msk $0xffff, v32  }
0x1b7: {  	v29 =	vand.u32 $0x7F8, v15;
	v15 =	vor.u32 v6, v34;
	v19 =	vld.idx.msk [tilespmem:v31+s3+$0x0], $0xffff;
	v31 =	vor.u32 v4, v34  }
0x1b8: {  	v40 =	vor.u32 v3, v34;
	v32 =	vor.u32 v21, v29;
	v29 =	vor.u32 v7, v34;
	v41 =	vld.idx.msk [tilespmem:v14+s3+$0x0], $0xffff  }
0x1b9: {  	v36 =	vand.u32 $0x1FF8, v36;
	v34 =	vor.u32 v8, v34;
	v14 =	vor.u32 v0, v35;
	v37 =	vld.idx.msk [tilespmem:v37+s3+$0x0], $0xffff  }
0x1ba: {  	v43 =	vand.u32 $0x7, v33;
	v31 =	vand.u32 $0x17F8, v31;
	v14 =	vand.u32 $0x7F8, v14;
	v26 =	vld.idx.msk [tilespmem:v26+s3+$0x0], $0xffff;
	[tilespmem:v27+s11+$0x0] =	vst.idx.msk $0xffff, v17  }
0x1bb: {  	v27 =	vor.u32 v43, v14;
	v17 =	vand.u32 $0xFF8, v40;
	v14 =	vor.u32 v21, v36;
	[tilespmem:v28+s11+$0x0] =	vst.idx.msk $0xffff, v25  }
0x1bc: {  	v36 =	vor.u32 v8, v35;
	v44 =	vor.u32 v21, v17;
	v28 =	vor.u32 v21, v31  }
0x1bd: {  	v17 =	vor.u32 v6, v35;
	v21 =	vor.u32 v5, v35;
	[tilespmem:v32+s11+$0x0] =	vst.idx.msk $0xffff, v19;
	v31 =	vld.idx.msk [tilespmem:v18+s3+$0x0], $0xffff  }
0x1be: {  	v33 =	vor.u32 v7, v35;
	v18 =	vor.u32 v3, v35;
	v19 =	vor.u32 v4, v35;
	v45 =	vld.idx.msk [tilespmem:v39+s3+$0x0], $0xffff  }
0x1bf: {  	s18 =	sadd.s32 $0x5, s17;
	v32 =	vand.u32 $0xFF8, v18;
	v18 =	vand.u32 $0x17F8, v19;
	v19 =	vand.u32 $0x1FF8, v21;
	v46 =	vld.idx.msk [tilespmem:v34+s3+$0x0], $0xffff;
	[tilespmem:v16+s11+$0x0] =	vst.idx.msk $0xffff, v41  }
0x1c0: {  	v21 =	vadd.s32 s18, v2;
	v25 =	vor.u32 v43, v18;
	v16 =	vor.u32 v43, v19;
	[tilespmem:v27+s11+$0x0] =	vst.idx.msk $0xffff, v26  }
0x1c1: {  	v34 =	vand.u32 $0x7F, v21;
	v18 =	vand.u32 $0x7, v21;
	v39 =	vld.idx.msk [tilespmem:v36+s3+$0x0], $0xffff;
	v36 =	vor.u32 v43, v32;
	[tilespmem:v30+s11+$0x0] =	vst.idx.msk $0xffff, v37  }
.Ltmp1:
0x1c2: {  	v26 =	vor.u32 v4, v34;
	v19 =	vor.u32 v6, v34;
	v21 =	vor.u32 v5, v34;
	(pc) =	sbr.rel @p0 .LBB2_5-.Ltmp1, $4  }
0x1c3: {  	s18 =	sadd.s32 $0x4, s17;
	v27 =	vor.u32 v7, v34;
	v30 =	vor.u32 v8, v34;
	v32 =	vor.u32 v3, v34;
	v35 =	vld.idx.msk [tilespmem:v22+s3+$0x0], $0xffff  }
0x1c4: {  	s19 =	sadd.s32 $0x3, s17;
	v40 =	vadd.s32 s18, v2;
	v41 =	vor.u32 v9, v34;
	v34 =	vor.u32 v0, v34;
	[tilespmem:v38+s11+$0x0] =	vst.idx.msk $0xffff, v45  }
0x1c5: {  	s20 =	sadd.s32 $0x2, s17;
	v43 =	vand.u32 $0x7F8, v34;
	v22 =	vand.u32 $0x7F, v40;
	v38 =	vadd.s32 s19, v2;
	v37 =	vld.idx.msk [tilespmem:v42+s3+$0x0], $0xffff;
	[tilespmem:v23+s11+$0x0] =	vst.idx.msk $0xffff, v31  }
0x1c6: {  	s18 =	sadd.s32 $0x1, s17;
	s17 =	sadd.s32 $0x10, s17;
	v34 =	vadd.s32 s20, v2;
	v23 =	vand.u32 $0x7F, v38;
	v42 =	vor.u32 v9, v22;
	[tilespmem:v44+s11+$0x0] =	vst.idx.msk $0xffff, v46  }
0x1c7: {  	v10 =	vadd.s32 s18, v2;
	v11 =	vand.u32 $0x7F, v34  }
0x1c8: {  	v12 =	vor.u32 v9, v23;
	v59 =	vor.u32 v18, v43;
	v61 =	vor.u32 v0, v22  }
0x1c9: {  	v40 =	vand.u32 $0x7, v40;
	v62 =	vor.u32 v0, v23;
	v44 =	vor.u32 v8, v22  }
0x1ca: {  	v47 =	vor.u32 v8, v23;
	v34 =	vand.u32 $0x7, v34;
	v32 =	vand.u32 $0xFF8, v32  }
0x1cb: {  	v13 =	vld.idx.msk [tilespmem:v29+s3+$0x0], $0xffff;
	v54 =	vor.u32 v3, v22;
	v55 =	vor.u32 v3, v23;
	v56 =	vor.u32 v7, v22  }
0x1cc: {  	v45 =	vld.idx.msk [tilespmem:v42+s3+$0x0], $0xffff;
	v42 =	vor.u32 v4, v22;
	v29 =	vand.u32 $0x7F, v10;
	v31 =	vor.u32 v9, v11  }
0x1cd: {  	[tilespmem:v36+s11+$0x0] =	vst.idx.msk $0xffff, v39;
	v43 =	vor.u32 v4, v23;
	v39 =	vand.u32 $0x7F8, v61;
	v60 =	vor.u32 v9, v29  }
0x1ce: {  	v41 =	vld.idx.msk [tilespmem:v41+s3+$0x0], $0xffff;
	[tilespmem:v20+s11+$0x0] =	vst.idx.msk $0xffff, v35;
	v63 =	vand.u32 $0x7F8, v62;
	v35 =	vand.u32 $0x7, v38;
	v46 =	vor.u32 v0, v11  }
0x1cf: {  	v52 =	vor.u32 v8, v11;
	v32 =	vor.u32 v18, v32;
	v39 =	vor.u32 v40, v39  }
0x1d0: {  	v20 =	vor.u32 v35, v63;
	v48 =	vor.u32 v0, v29;
	v49 =	vand.u32 $0x7F8, v46;
	v12 =	vld.idx.msk [tilespmem:v12+s3+$0x0], $0xffff  }
0x1d1: {  	v10 =	vand.u32 $0x7, v10;
	[tilespmem:v24+s11+$0x0] =	vst.idx.msk $0xffff, v37;
	v50 =	vand.u32 $0x7F8, v48;
	v51 =	vor.u32 v34, v49;
	v31 =	vld.idx.msk [tilespmem:v31+s3+$0x0], $0xffff  }
0x1d2: {  	v26 =	vand.u32 $0x17F8, v26;
	v36 =	vand.u32 $0xFF8, v54;
	[tilespmem:v28+s11+$0x0] =	vst.idx.msk $0xffff, v13;
	v13 =	vor.u32 v10, v50;
	v9 =	vld.idx.msk [tilespmem:v60+s3+$0x0], $0xffff  }
0x1d3: {  	v57 =	vand.u32 $0xFF8, v55;
	v26 =	vor.u32 v18, v26;
	v53 =	vor.u32 v8, v29;
	[tilespmem:v59+s11+$0x0] =	vst.idx.msk $0xffff, v41  }
0x1d4: {  	v36 =	vor.u32 v40, v36;
	v61 =	vor.u32 v3, v29;
	v30 =	vld.idx.msk [tilespmem:v30+s3+$0x0], $0xffff;
	[tilespmem:v39+s11+$0x0] =	vst.idx.msk $0xffff, v45  }
0x1d5: {  	v63 =	vor.u32 v7, v23;
	v59 =	vor.u32 v3, v11;
	v58 =	vld.idx.msk [tilespmem:v44+s3+$0x0], $0xffff;
	[tilespmem:v20+s11+$0x0] =	vst.idx.msk $0xffff, v12  }
0x1d6: {  	v24 =	vand.u32 $0xFF8, v59;
	v12 =	vor.u32 v35, v57;
	[tilespmem:v51+s11+$0x0] =	vst.idx.msk $0xffff, v31;
	v60 =	vld.idx.msk [tilespmem:v47+s3+$0x0], $0xffff  }
0x1d7: {  	v24 =	vor.u32 v34, v24;
	[tilespmem:v13+s11+$0x0] =	vst.idx.msk $0xffff, v9;
	v62 =	vld.idx.msk [tilespmem:v52+s3+$0x0], $0xffff;
	v9 =	vand.u32 $0xFF8, v61  }
0x1d8: {  	v54 =	vor.u32 v5, v22;
	v41 =	vor.u32 v7, v11;
	v8 =	vld.idx.msk [tilespmem:v53+s3+$0x0], $0xffff;
	v9 =	vor.u32 v10, v9  }
0x1d9: {  	v33 =	vld.idx.msk [tilespmem:v33+s3+$0x0], $0xffff;
	v48 =	vor.u32 v4, v11;
	v7 =	vor.u32 v7, v29;
	[tilespmem:v32+s11+$0x0] =	vst.idx.msk $0xffff, v30  }
0x1da: {  	v46 =	vand.u32 $0x17F8, v43;
	v50 =	vor.u32 v4, v29;
	v44 =	vand.u32 $0x17F8, v42;
	v27 =	vld.idx.msk [tilespmem:v27+s3+$0x0], $0xffff;
	[tilespmem:v36+s11+$0x0] =	vst.idx.msk $0xffff, v58  }
0x1db: {  	v45 =	vor.u32 v6, v22;
	v20 =	vor.u32 v40, v44;
	v47 =	vld.idx.msk [tilespmem:v56+s3+$0x0], $0xffff;
	[tilespmem:v12+s11+$0x0] =	vst.idx.msk $0xffff, v60  }
0x1dc: {  	v13 =	vand.u32 $0x17F8, v48;
	v12 =	vor.u32 v35, v46;
	[tilespmem:v24+s11+$0x0] =	vst.idx.msk $0xffff, v62;
	v49 =	vld.idx.msk [tilespmem:v63+s3+$0x0], $0xffff  }
0x1dd: {  	v13 =	vor.u32 v34, v13;
	[tilespmem:v9+s11+$0x0] =	vst.idx.msk $0xffff, v8;
	v51 =	vld.idx.msk [tilespmem:v41+s3+$0x0], $0xffff;
	v8 =	vand.u32 $0x17F8, v50  }
0x1de: {  	[tilespmem:v25+s11+$0x0] =	vst.idx.msk $0xffff, v33;
	v52 =	vor.u32 v6, v23;
	v7 =	vld.idx.msk [tilespmem:v7+s3+$0x0], $0xffff;
	v8 =	vor.u32 v10, v8  }
0x1df: {  	v55 =	vor.u32 v5, v23;
	v15 =	vld.idx.msk [tilespmem:v15+s3+$0x0], $0xffff;
	v53 =	vor.u32 v6, v11;
	[tilespmem:v26+s11+$0x0] =	vst.idx.msk $0xffff, v27  }
0x1e0: {  	v21 =	vand.u32 $0x1FF8, v21;
	v17 =	vld.idx.msk [tilespmem:v17+s3+$0x0], $0xffff;
	v57 =	vand.u32 $0x1FF8, v54;
	v6 =	vor.u32 v6, v29;
	[tilespmem:v20+s11+$0x0] =	vst.idx.msk $0xffff, v47  }
0x1e1: {  	v56 =	vor.u32 v18, v21;
	v60 =	vor.u32 v5, v11;
	v19 =	vld.idx.msk [tilespmem:v19+s3+$0x0], $0xffff;
	[tilespmem:v12+s11+$0x0] =	vst.idx.msk $0xffff, v49  }
0x1e2: {  	v58 =	vand.u32 $0x1FF8, v55;
	v62 =	vand.u32 $0x1FF8, v60;
	v20 =	vor.u32 v40, v57;
	v59 =	vld.idx.msk [tilespmem:v45+s3+$0x0], $0xffff;
	[tilespmem:v13+s11+$0x0] =	vst.idx.msk $0xffff, v51  }
0x1e3: {  	v12 =	vor.u32 v35, v58;
	v61 =	vld.idx.msk [tilespmem:v52+s3+$0x0], $0xffff;
	[tilespmem:v8+s11+$0x0] =	vst.idx.msk $0xffff, v7;
	v7 =	vor.u32 v5, v29  }
0x1e4: {  	[tilespmem:v14+s11+$0x0] =	vst.idx.msk $0xffff, v15;
	v63 =	vld.idx.msk [tilespmem:v53+s3+$0x0], $0xffff;
	v8 =	vor.u32 v34, v62;
	v7 =	vand.u32 $0x1FF8, v7  }
0x1e5: {  	[tilespmem:v16+s11+$0x0] =	vst.idx.msk $0xffff, v17;
	v6 =	vld.idx.msk [tilespmem:v6+s3+$0x0], $0xffff;
	v7 =	vor.u32 v10, v7  }
0x1e6: {  	[tilespmem:v56+s11+$0x0] =	vst.idx.msk $0xffff, v19  }
0x1e7: {  	[tilespmem:v20+s11+$0x0] =	vst.idx.msk $0xffff, v59  }
0x1e8: {  	s15 =	sadd.s32 $0x1, s15;
	[tilespmem:v12+s11+$0x0] =	vst.idx.msk $0xffff, v61  }
0x1e9: {  	p0 =	sne.s32 s15, $0x100;
	[tilespmem:v8+s11+$0x0] =	vst.idx.msk $0xffff, v63  }
.Ltmp2:
0x1ea: {  	[tilespmem:v7+s11+$0x0] =	vst.idx.msk $0xffff, v6;
	(pc) =	sbr.rel @p0 .LBB2_2-.Ltmp2, $4  }
0x1eb: {  	s16 =	sadd.s32 s4, s16;
	_ =	swait.ge [sflag:s12], $0x2000  }
0x1ec: {  	s16 =	sshll.u32 s16, $0x4;
	[sflag:s12] =	ssyncset.done $0x0  }
0x1ed: {  	s16 =	sadd.s32 s2, s16;
	[sflag:s12] =	ssyncadd.s32 $0xFFFFE000  }
0x1ee: {  	[hbm4b:s16+s3] =	stream.linear.scatter [tilespmem:s11], [sflag:$0x2], $0x2000, $0x38;
	[tilespmem:$0x14700] =	vst v63  }
0x1ef: {  	s14 =	sadd.s32 $0x1, s14  }
0x1f0: {  	p0 =	sne.s32 s14, s7  }
.Ltmp3:
0x1f1: {  	_ = 	snop;
	(pc) =	sbr.rel @p0 .LBB2_1-.Ltmp3, $4  }
0x1f2: {  	_ = 	snop  }
0x1f3: {  	_ =	swait.ge [sflag:s13], $0x2000  }
0x1f4: {  	[sflag:s13] =	ssyncset.done $0x0  }
0x1f5: {  	[sflag:s13] =	ssyncadd.s32 $0xFFFFE000  }
0x1f6: {  	_ =	sfence.sel $0x180000  }
0x1f7: {  	[bflag:$0x0] =	sbarrier.arrive $0xFFFF  }
0x1f8: {  	p0 =	sne.s32 s1, $0x0;
	_ =	strace $0x90000047  }
0x1f9: {  	s0 =	sadd.s32 @!p0 $0x100000, s0;
	[bflag:$0x2] =	sbarrier.arrive $0xFFFF  }
0x1fa: {  	[sflag:s0] =	ssyncadd.tile.s32 @!p0 $0x1;
	_ =	shalt  }
.Lfunc_end2:
_tile_overlayer_lowered:
.L_overlay_start_2:
0x1fb: {  	(tag) =	ssettag $0x2  }
0x1fc: {  	s0 =	rddreg [dreg:$0x0];
	s2 =	stileid.u32  }
0x1fd: {  	s1 =	rddreg [dreg:$0x1];
	p0 =	sne.s32 s2, $0x0  }
0x1fe: {  	s3 =	rddreg [dreg:$0x2];
	[bflag:$0x3] =	sbarrier.arrive $0xFFFF;
	s2 =	simm.s32 @!p0 $0x1C03  }
0x1ff: {  	[timem:s3], [sflag:s2] =	dma.local @!p0 [hbm:s0], s1  }
0x200: {  	s0 =	simm.s32 @!p0 $0x3  }
0x201: {  	_ =	swait.ge @!p0 [sflag:s0], s1  }
0x202: {  	s1 =	ssub.s32 @!p0 $0x0, s1;
	[sflag:s0] =	ssyncset.done @!p0 $0x0  }
0x203: {  	[sflag:s0] =	ssyncadd.s32 @!p0 s1  }
0x204: {  	[bflag:$0x3] =	sbarrier.arrive $0xFFFF  }
0x205: {  	_ =	shalt  }

</sc_bundles>
